<compile_context>
chip_gen: v7x
topology: tpu7x:2x2x1
jax: 0.10.2.dev20260603
libtpu: 0.0.44.dev20260713+nightly
codegen_flags: <defaults>
</compile_context>

<pallas_src>
import jax
import jax.numpy as jnp
from jax import lax
from jax.experimental import pallas as pl
from jax.experimental.pallas import tpu as pltpu
from jax.experimental.pallas import tpu_sc as plsc

B = 16384
D = 64
NC = 2
NS = 16
NW = NC * NS
BPW = B // NW
CHUNK = 128
NCH = BPW // CHUNK
L = 16
PR = 128


def _gather_body(ids_hbm, tab_hbm, rows_hbm, ids_v, b0, b1, sem0, sem1,
                 semw0, semw1):
    cid = lax.axis_index("c")
    sid = lax.axis_index("s")
    wid = sid * NC + cid

    pltpu.sync_copy(ids_hbm.at[wid], ids_v)

    buf = [b0, b1]
    sems = [sem0, sem1]
    wsems = [semw0, semw1]

    def fire(j):
        return pltpu.async_copy(tab_hbm.at[ids_v.at[j]], buf[j % 2], sems[j % 2])

    wrs = [None, None]
    pend = fire(0)
    for j in range(NCH):
        nxt = None
        if j + 1 < NCH:
            if wrs[(j + 1) % 2] is not None:
                wrs[(j + 1) % 2].wait()
                wrs[(j + 1) % 2] = None
            nxt = fire(j + 1)
        pend.wait()
        pend = nxt
        wrs[j % 2] = pltpu.async_copy(
            buf[j % 2], rows_hbm.at[pl.ds(wid * BPW + j * CHUNK, CHUNK)],
            wsems[j % 2])
    for w in wrs:
        if w is not None:
            w.wait()


def _dot_body(drows_hbm, rrows_hbm, out_hbm, d0, d1, r0, r1, out_v, sem0, sem1):
    cid = lax.axis_index("c")
    sid = lax.axis_index("s")
    wid = sid * NC + cid

    dbuf = [d0, d1]
    rbuf = [r0, r1]
    sems = [sem0, sem1]

    def fire(j):
        s = sems[j % 2]
        base = wid * BPW + j * CHUNK
        return [pltpu.async_copy(drows_hbm.at[pl.ds(base, CHUNK)], dbuf[j % 2], s),
                pltpu.async_copy(rrows_hbm.at[pl.ds(base, CHUNK)], rbuf[j % 2], s)]

    lanes = lax.broadcasted_iota(jnp.int32, (L,), 0)
    zero_i = jnp.zeros((L,), jnp.int32)

    pend = fire(0)
    for j in range(NCH):
        nxt = fire(j + 1) if j + 1 < NCH else []
        for c in pend:
            c.wait()
        pend = nxt
        db, rb = dbuf[j % 2], rbuf[j % 2]

        def g_body(g, carry):
            row = g * L + lanes

            def d_body(d8, acc):
                for k in range(8):
                    col = zero_i + (d8 * 8 + k)
                    acc = acc + (plsc.load_gather(db, [row, col])
                                 * plsc.load_gather(rb, [row, col]))
                return acc

            acc = lax.fori_loop(0, D // 8, d_body, jnp.zeros((L,), jnp.float32))
            out_v[pl.ds(j * CHUNK + g * L, L)] = acc
            return carry

        lax.fori_loop(0, CHUNK // L, g_body, 0)

    pltpu.sync_copy(out_v, out_hbm.at[pl.ds(wid * BPW, BPW)])


_MESH = plsc.VectorSubcoreMesh(core_axis_name="c", subcore_axis_name="s")
_PARAMS = pltpu.CompilerParams(needs_layout_passes=False, use_tc_tiling_on_sc=False)


def _gather_call(ids3, tab2):
    f = pl.kernel(
        _gather_body,
        out_type=jax.ShapeDtypeStruct((B, PR), jnp.float32),
        mesh=_MESH,
        compiler_params=_PARAMS,
        scratch_types=[
            pltpu.VMEM((NCH, CHUNK), jnp.int32),
            pltpu.VMEM((CHUNK, PR), jnp.float32),
            pltpu.VMEM((CHUNK, PR), jnp.float32),
            pltpu.SemaphoreType.DMA,
            pltpu.SemaphoreType.DMA,
            pltpu.SemaphoreType.DMA,
            pltpu.SemaphoreType.DMA,
        ],
    )
    return f(ids3, tab2)


def _dot_call(drows, rrows):
    f = pl.kernel(
        _dot_body,
        out_type=jax.ShapeDtypeStruct((B,), jnp.float32),
        mesh=_MESH,
        compiler_params=_PARAMS,
        scratch_types=[
            pltpu.VMEM((CHUNK, PR), jnp.float32),
            pltpu.VMEM((CHUNK, PR), jnp.float32),
            pltpu.VMEM((CHUNK, PR), jnp.float32),
            pltpu.VMEM((CHUNK, PR), jnp.float32),
            pltpu.VMEM((BPW,), jnp.float32),
            pltpu.SemaphoreType.DMA,
            pltpu.SemaphoreType.DMA,
        ],
    )
    return f(drows, rrows)


@jax.jit
def _run(did3, rid3, donor_table, receiver_table):
    dtab2 = jnp.pad(donor_table, ((0, 0), (0, PR - D)))
    rtab2 = jnp.pad(receiver_table, ((0, 0), (0, PR - D)))
    drows = _gather_call(did3, dtab2)
    rrows = _gather_call(rid3, rtab2)
    return _dot_call(drows, rrows)


def kernel(donor_ids, receiver_ids, donor_table, receiver_table):
    did3 = donor_ids.astype(jnp.int32).reshape(NW, NCH, CHUNK)
    rid3 = receiver_ids.astype(jnp.int32).reshape(NW, NCH, CHUNK)
    return _run(did3, rid3, donor_table, receiver_table)

# --- scband reference (transcript-rebuilt; emitter-appended) ---
"""Pipeline reference for scband-simple-two-tower-model-85426899517743 (READ-ONLY COPY).

The authoritative reference and input builder live on the scoring server;
editing this copy changes nothing except your own understanding.
"""

import jax, jax.numpy as jnp
import numpy as np

NUM_DONORS = 1000000
NUM_RECEIVERS = 1000000
EMBED_DIM = 64
BATCH = 16384


def setup_inputs(seed: int = 0) -> dict:
    key = jax.random.key(seed)
    k1, k2, k3, k4 = jax.random.split(key, 4)
    donor_ids = jax.random.randint(k1, (BATCH,), 0, NUM_DONORS, dtype=jnp.int64 if jax.config.jax_enable_x64 else jnp.int32)
    receiver_ids = jax.random.randint(k2, (BATCH,), 0, NUM_RECEIVERS, dtype=jnp.int64 if jax.config.jax_enable_x64 else jnp.int32)
    donor_table = jax.random.normal(k3, (NUM_DONORS, EMBED_DIM), dtype=jnp.float32)
    receiver_table = jax.random.normal(k4, (NUM_RECEIVERS, EMBED_DIM), dtype=jnp.float32)
    return {
        "donor_ids": donor_ids,
        "receiver_ids": receiver_ids,
        "donor_table": donor_table,
        "receiver_table": receiver_table,
    }


def reference(donor_ids, receiver_ids, donor_table, receiver_table):
    donor_emb = jnp.take(donor_table, donor_ids, axis=0)
    receiver_emb = jnp.take(receiver_table, receiver_ids, axis=0)
    scores = jnp.sum(donor_emb * receiver_emb, axis=1)
    return scores

if __name__ == "__main__":
    import jax
    _d = setup_inputs()
    print(jax.jit(kernel)(*tuple(_d.values())))

</pallas_src>

<mosaic_0001>
#map = affine_map<(d0, d1) -> (0, 0, 0)>
#map1 = affine_map<(d0, d1) -> (0, 0)>
module attributes {stable_mosaic.version = 14 : i64} {
  func.func @_gather_body(%arg0: i32, %arg1: i32, %arg2: memref<32x4x128xi32, #tpu.memory_space<hbm>>, %arg3: memref<1000000x128xf32, #tpu.memory_space<hbm>>, %arg4: memref<16384x128xf32, #tpu.memory_space<hbm>>, %arg5: memref<4x128xi32, #tpu.memory_space<vmem>>, %arg6: memref<128x128xf32, #tpu.memory_space<vmem>>, %arg7: memref<128x128xf32, #tpu.memory_space<vmem>>, %arg8: memref<!tpu.dma_semaphore, #tpu.memory_space<semaphore_mem>>, %arg9: memref<!tpu.dma_semaphore, #tpu.memory_space<semaphore_mem>>, %arg10: memref<!tpu.dma_semaphore, #tpu.memory_space<semaphore_mem>>, %arg11: memref<!tpu.dma_semaphore, #tpu.memory_space<semaphore_mem>>) attributes {dimension_semantics = [#tpu.dimension_semantics<core_parallel>, #tpu.dimension_semantics<subcore_parallel>], iteration_bounds = array<i64: 2, 16>, scalar_prefetch = 0 : i64, scratch_operands = 7 : i64, tpu.core_type = #tpu.core_type<sc_vector_subcore>, window_params = [{transform_indices = #map}, {transform_indices = #map1}, {transform_indices = #map1}]} {
    %mul3A = arith.constant 2 : i32
    %mul3A_0 = arith.muli %arg1, %mul3A : i32
    %add3A = arith.addi %mul3A_0, %arg0 : i32
    "tpu.region"() ({
      %run_scoped3A = tpu.sem_alloc : memref<!tpu.dma_semaphore, #tpu.memory_space<semaphore_mem>>
      %dma_start3A_103 = arith.constant 0 : i32
      %dma_start3A_104 = arith.constant 0 : i32
      %dma_start3A_105 = tpu.memref_slice %arg2[%add3A, %dma_start3A_103, %dma_start3A_104] : memref<32x4x128xi32, #tpu.memory_space<hbm>> -> memref<1x4x128xi32, #tpu.memory_space<hbm>>
      %dma_start3A_106 = tpu.memref_squeeze %dma_start3A_105 : memref<1x4x128xi32, #tpu.memory_space<hbm>> -> memref<4x128xi32, #tpu.memory_space<hbm>>
      %dma_start3A_107 = arith.constant 0 : i32
      %dma_start3A_108 = arith.constant 0 : i32
      %dma_start3A_109 = tpu.memref_slice %arg2[%add3A, %dma_start3A_107, %dma_start3A_108] : memref<32x4x128xi32, #tpu.memory_space<hbm>> -> memref<1x4x128xi32, #tpu.memory_space<hbm>>
      %dma_start3A_110 = tpu.memref_squeeze %dma_start3A_109 : memref<1x4x128xi32, #tpu.memory_space<hbm>> -> memref<4x128xi32, #tpu.memory_space<hbm>>
      tpu.enqueue_dma source(%dma_start3A_110 : memref<4x128xi32, #tpu.memory_space<hbm>>) target(%arg5 : memref<4x128xi32, #tpu.memory_space<vmem>>) target_semaphore(%run_scoped3A : memref<!tpu.dma_semaphore, #tpu.memory_space<semaphore_mem>>)
      %dma_wait3A_111 = arith.constant 0 : i32
      %dma_wait3A_112 = arith.constant 0 : i32
      %dma_wait3A_113 = tpu.memref_slice %arg2[%add3A, %dma_wait3A_111, %dma_wait3A_112] : memref<32x4x128xi32, #tpu.memory_space<hbm>> -> memref<1x4x128xi32, #tpu.memory_space<hbm>>
      %dma_wait3A_114 = tpu.memref_squeeze %dma_wait3A_113 : memref<1x4x128xi32, #tpu.memory_space<hbm>> -> memref<4x128xi32, #tpu.memory_space<hbm>>
      %dma_wait3A_115 = arith.constant 0 : i32
      %dma_wait3A_116 = arith.constant 0 : i32
      %dma_wait3A_117 = tpu.memref_slice %arg2[%add3A, %dma_wait3A_115, %dma_wait3A_116] : memref<32x4x128xi32, #tpu.memory_space<hbm>> -> memref<1x4x128xi32, #tpu.memory_space<hbm>>
      %dma_wait3A_118 = tpu.memref_squeeze %dma_wait3A_117 : memref<1x4x128xi32, #tpu.memory_space<hbm>> -> memref<4x128xi32, #tpu.memory_space<hbm>>
      tpu.wait_dma2 semaphore(%run_scoped3A : memref<!tpu.dma_semaphore, #tpu.memory_space<semaphore_mem>>) src(%dma_wait3A_118 : memref<4x128xi32, #tpu.memory_space<hbm>>) dst(%arg5 : memref<4x128xi32, #tpu.memory_space<vmem>>)
      tpu.yield
    }) : () -> ()
    %dma_start3A = arith.constant 0 : i32
    %dma_start3A_1 = arith.constant 0 : i32
    %dma_start3A_2 = tpu.memref_slice %arg5[%dma_start3A, %dma_start3A_1] : memref<4x128xi32, #tpu.memory_space<vmem>> -> memref<1x128xi32, #tpu.memory_space<vmem>>
    %dma_start3A_3 = tpu.memref_squeeze %dma_start3A_2 : memref<1x128xi32, #tpu.memory_space<vmem>> -> memref<128xi32, #tpu.memory_space<vmem>>
    %dma_start3A_4 = arith.constant 0 : i32
    %dma_start3A_5 = arith.constant 0 : i32
    %dma_start3A_6 = tpu.memref_slice %arg3[%dma_start3A_4, %dma_start3A_5] : memref<1000000x128xf32, #tpu.memory_space<hbm>> -> memref<1000000x128xf32, #tpu.memory_space<hbm>>
    tpu.enqueue_indirect_dma source(%dma_start3A_6 : memref<1000000x128xf32, #tpu.memory_space<hbm>>) target(%arg6 : memref<128x128xf32, #tpu.memory_space<vmem>>) offsets(%dma_start3A_3 : memref<128xi32, #tpu.memory_space<vmem>>) semaphore(%arg8 : memref<!tpu.dma_semaphore, #tpu.memory_space<semaphore_mem>>)
    %dma_start3A_7 = arith.constant 1 : i32
    %dma_start3A_8 = arith.constant 0 : i32
    %dma_start3A_9 = tpu.memref_slice %arg5[%dma_start3A_7, %dma_start3A_8] : memref<4x128xi32, #tpu.memory_space<vmem>> -> memref<1x128xi32, #tpu.memory_space<vmem>>
    %dma_start3A_10 = tpu.memref_squeeze %dma_start3A_9 : memref<1x128xi32, #tpu.memory_space<vmem>> -> memref<128xi32, #tpu.memory_space<vmem>>
    %dma_start3A_11 = arith.constant 0 : i32
    %dma_start3A_12 = arith.constant 0 : i32
    %dma_start3A_13 = tpu.memref_slice %arg3[%dma_start3A_11, %dma_start3A_12] : memref<1000000x128xf32, #tpu.memory_space<hbm>> -> memref<1000000x128xf32, #tpu.memory_space<hbm>>
    tpu.enqueue_indirect_dma source(%dma_start3A_13 : memref<1000000x128xf32, #tpu.memory_space<hbm>>) target(%arg7 : memref<128x128xf32, #tpu.memory_space<vmem>>) offsets(%dma_start3A_10 : memref<128xi32, #tpu.memory_space<vmem>>) semaphore(%arg9 : memref<!tpu.dma_semaphore, #tpu.memory_space<semaphore_mem>>)
    %dma_wait3A = arith.constant 0 : i32
    %dma_wait3A_14 = arith.constant 0 : i32
    %dma_wait3A_15 = tpu.memref_slice %arg5[%dma_wait3A, %dma_wait3A_14] : memref<4x128xi32, #tpu.memory_space<vmem>> -> memref<1x128xi32, #tpu.memory_space<vmem>>
    %dma_wait3A_16 = tpu.memref_squeeze %dma_wait3A_15 : memref<1x128xi32, #tpu.memory_space<vmem>> -> memref<128xi32, #tpu.memory_space<vmem>>
    %dma_wait3A_17 = arith.constant 0 : i32
    %dma_wait3A_18 = arith.constant 0 : i32
    %dma_wait3A_19 = tpu.memref_slice %arg3[%dma_wait3A_17, %dma_wait3A_18] : memref<1000000x128xf32, #tpu.memory_space<hbm>> -> memref<1000000x128xf32, #tpu.memory_space<hbm>>
    tpu.wait_indirect_dma semaphore(%arg8 : memref<!tpu.dma_semaphore, #tpu.memory_space<semaphore_mem>>) src(%dma_wait3A_19 : memref<1000000x128xf32, #tpu.memory_space<hbm>>) dst(%arg6 : memref<128x128xf32, #tpu.memory_space<vmem>>)
    %mul3A_20 = arith.constant 512 : i32
    %mul3A_21 = arith.muli %add3A, %mul3A_20 : i32
    %add3A_22 = arith.constant 0 : i32
    %add3A_23 = arith.addi %mul3A_21, %add3A_22 : i32
    %dma_start3A_24 = arith.constant 0 : i32
    %dma_start3A_25 = tpu.memref_slice %arg4[%add3A_23, %dma_start3A_24] : memref<16384x128xf32, #tpu.memory_space<hbm>> -> memref<128x128xf32, #tpu.memory_space<hbm>>
    %dma_start3A_26 = arith.constant 0 : i32
    %dma_start3A_27 = tpu.memref_slice %arg4[%add3A_23, %dma_start3A_26] : memref<16384x128xf32, #tpu.memory_space<hbm>> -> memref<128x128xf32, #tpu.memory_space<hbm>>
    tpu.enqueue_dma source(%arg6 : memref<128x128xf32, #tpu.memory_space<vmem>>) target(%dma_start3A_27 : memref<128x128xf32, #tpu.memory_space<hbm>>) target_semaphore(%arg10 : memref<!tpu.dma_semaphore, #tpu.memory_space<semaphore_mem>>)
    %dma_wait3A_28 = arith.constant 0 : i32
    %dma_wait3A_29 = tpu.memref_slice %arg4[%add3A_23, %dma_wait3A_28] : memref<16384x128xf32, #tpu.memory_space<hbm>> -> memref<128x128xf32, #tpu.memory_space<hbm>>
    %dma_wait3A_30 = arith.constant 0 : i32
    %dma_wait3A_31 = tpu.memref_slice %arg4[%add3A_23, %dma_wait3A_30] : memref<16384x128xf32, #tpu.memory_space<hbm>> -> memref<128x128xf32, #tpu.memory_space<hbm>>
    tpu.wait_dma2 semaphore(%arg10 : memref<!tpu.dma_semaphore, #tpu.memory_space<semaphore_mem>>) src(%arg6 : memref<128x128xf32, #tpu.memory_space<vmem>>) dst(%dma_wait3A_31 : memref<128x128xf32, #tpu.memory_space<hbm>>)
    %dma_start3A_32 = arith.constant 2 : i32
    %dma_start3A_33 = arith.constant 0 : i32
    %dma_start3A_34 = tpu.memref_slice %arg5[%dma_start3A_32, %dma_start3A_33] : memref<4x128xi32, #tpu.memory_space<vmem>> -> memref<1x128xi32, #tpu.memory_space<vmem>>
    %dma_start3A_35 = tpu.memref_squeeze %dma_start3A_34 : memref<1x128xi32, #tpu.memory_space<vmem>> -> memref<128xi32, #tpu.memory_space<vmem>>
    %dma_start3A_36 = arith.constant 0 : i32
    %dma_start3A_37 = arith.constant 0 : i32
    %dma_start3A_38 = tpu.memref_slice %arg3[%dma_start3A_36, %dma_start3A_37] : memref<1000000x128xf32, #tpu.memory_space<hbm>> -> memref<1000000x128xf32, #tpu.memory_space<hbm>>
    tpu.enqueue_indirect_dma source(%dma_start3A_38 : memref<1000000x128xf32, #tpu.memory_space<hbm>>) target(%arg6 : memref<128x128xf32, #tpu.memory_space<vmem>>) offsets(%dma_start3A_35 : memref<128xi32, #tpu.memory_space<vmem>>) semaphore(%arg8 : memref<!tpu.dma_semaphore, #tpu.memory_space<semaphore_mem>>)
    %dma_wait3A_39 = arith.constant 1 : i32
    %dma_wait3A_40 = arith.constant 0 : i32
    %dma_wait3A_41 = tpu.memref_slice %arg5[%dma_wait3A_39, %dma_wait3A_40] : memref<4x128xi32, #tpu.memory_space<vmem>> -> memref<1x128xi32, #tpu.memory_space<vmem>>
    %dma_wait3A_42 = tpu.memref_squeeze %dma_wait3A_41 : memref<1x128xi32, #tpu.memory_space<vmem>> -> memref<128xi32, #tpu.memory_space<vmem>>
    %dma_wait3A_43 = arith.constant 0 : i32
    %dma_wait3A_44 = arith.constant 0 : i32
    %dma_wait3A_45 = tpu.memref_slice %arg3[%dma_wait3A_43, %dma_wait3A_44] : memref<1000000x128xf32, #tpu.memory_space<hbm>> -> memref<1000000x128xf32, #tpu.memory_space<hbm>>
    tpu.wait_indirect_dma semaphore(%arg9 : memref<!tpu.dma_semaphore, #tpu.memory_space<semaphore_mem>>) src(%dma_wait3A_45 : memref<1000000x128xf32, #tpu.memory_space<hbm>>) dst(%arg7 : memref<128x128xf32, #tpu.memory_space<vmem>>)
    %mul3A_46 = arith.constant 512 : i32
    %mul3A_47 = arith.muli %add3A, %mul3A_46 : i32
    %add3A_48 = arith.constant 128 : i32
    %add3A_49 = arith.addi %mul3A_47, %add3A_48 : i32
    %dma_start3A_50 = arith.constant 0 : i32
    %dma_start3A_51 = tpu.memref_slice %arg4[%add3A_49, %dma_start3A_50] : memref<16384x128xf32, #tpu.memory_space<hbm>> -> memref<128x128xf32, #tpu.memory_space<hbm>>
    %dma_start3A_52 = arith.constant 0 : i32
    %dma_start3A_53 = tpu.memref_slice %arg4[%add3A_49, %dma_start3A_52] : memref<16384x128xf32, #tpu.memory_space<hbm>> -> memref<128x128xf32, #tpu.memory_space<hbm>>
    tpu.enqueue_dma source(%arg7 : memref<128x128xf32, #tpu.memory_space<vmem>>) target(%dma_start3A_53 : memref<128x128xf32, #tpu.memory_space<hbm>>) target_semaphore(%arg11 : memref<!tpu.dma_semaphore, #tpu.memory_space<semaphore_mem>>)
    %dma_wait3A_54 = arith.constant 0 : i32
    %dma_wait3A_55 = tpu.memref_slice %arg4[%add3A_49, %dma_wait3A_54] : memref<16384x128xf32, #tpu.memory_space<hbm>> -> memref<128x128xf32, #tpu.memory_space<hbm>>
    %dma_wait3A_56 = arith.constant 0 : i32
    %dma_wait3A_57 = tpu.memref_slice %arg4[%add3A_49, %dma_wait3A_56] : memref<16384x128xf32, #tpu.memory_space<hbm>> -> memref<128x128xf32, #tpu.memory_space<hbm>>
    tpu.wait_dma2 semaphore(%arg11 : memref<!tpu.dma_semaphore, #tpu.memory_space<semaphore_mem>>) src(%arg7 : memref<128x128xf32, #tpu.memory_space<vmem>>) dst(%dma_wait3A_57 : memref<128x128xf32, #tpu.memory_space<hbm>>)
    %dma_start3A_58 = arith.constant 3 : i32
    %dma_start3A_59 = arith.constant 0 : i32
    %dma_start3A_60 = tpu.memref_slice %arg5[%dma_start3A_58, %dma_start3A_59] : memref<4x128xi32, #tpu.memory_space<vmem>> -> memref<1x128xi32, #tpu.memory_space<vmem>>
    %dma_start3A_61 = tpu.memref_squeeze %dma_start3A_60 : memref<1x128xi32, #tpu.memory_space<vmem>> -> memref<128xi32, #tpu.memory_space<vmem>>
    %dma_start3A_62 = arith.constant 0 : i32
    %dma_start3A_63 = arith.constant 0 : i32
    %dma_start3A_64 = tpu.memref_slice %arg3[%dma_start3A_62, %dma_start3A_63] : memref<1000000x128xf32, #tpu.memory_space<hbm>> -> memref<1000000x128xf32, #tpu.memory_space<hbm>>
    tpu.enqueue_indirect_dma source(%dma_start3A_64 : memref<1000000x128xf32, #tpu.memory_space<hbm>>) target(%arg7 : memref<128x128xf32, #tpu.memory_space<vmem>>) offsets(%dma_start3A_61 : memref<128xi32, #tpu.memory_space<vmem>>) semaphore(%arg9 : memref<!tpu.dma_semaphore, #tpu.memory_space<semaphore_mem>>)
    %dma_wait3A_65 = arith.constant 2 : i32
    %dma_wait3A_66 = arith.constant 0 : i32
    %dma_wait3A_67 = tpu.memref_slice %arg5[%dma_wait3A_65, %dma_wait3A_66] : memref<4x128xi32, #tpu.memory_space<vmem>> -> memref<1x128xi32, #tpu.memory_space<vmem>>
    %dma_wait3A_68 = tpu.memref_squeeze %dma_wait3A_67 : memref<1x128xi32, #tpu.memory_space<vmem>> -> memref<128xi32, #tpu.memory_space<vmem>>
    %dma_wait3A_69 = arith.constant 0 : i32
    %dma_wait3A_70 = arith.constant 0 : i32
    %dma_wait3A_71 = tpu.memref_slice %arg3[%dma_wait3A_69, %dma_wait3A_70] : memref<1000000x128xf32, #tpu.memory_space<hbm>> -> memref<1000000x128xf32, #tpu.memory_space<hbm>>
    tpu.wait_indirect_dma semaphore(%arg8 : memref<!tpu.dma_semaphore, #tpu.memory_space<semaphore_mem>>) src(%dma_wait3A_71 : memref<1000000x128xf32, #tpu.memory_space<hbm>>) dst(%arg6 : memref<128x128xf32, #tpu.memory_space<vmem>>)
    %mul3A_72 = arith.constant 512 : i32
    %mul3A_73 = arith.muli %add3A, %mul3A_72 : i32
    %add3A_74 = arith.constant 256 : i32
    %add3A_75 = arith.addi %mul3A_73, %add3A_74 : i32
    %dma_start3A_76 = arith.constant 0 : i32
    %dma_start3A_77 = tpu.memref_slice %arg4[%add3A_75, %dma_start3A_76] : memref<16384x128xf32, #tpu.memory_space<hbm>> -> memref<128x128xf32, #tpu.memory_space<hbm>>
    %dma_start3A_78 = arith.constant 0 : i32
    %dma_start3A_79 = tpu.memref_slice %arg4[%add3A_75, %dma_start3A_78] : memref<16384x128xf32, #tpu.memory_space<hbm>> -> memref<128x128xf32, #tpu.memory_space<hbm>>
    tpu.enqueue_dma source(%arg6 : memref<128x128xf32, #tpu.memory_space<vmem>>) target(%dma_start3A_79 : memref<128x128xf32, #tpu.memory_space<hbm>>) target_semaphore(%arg10 : memref<!tpu.dma_semaphore, #tpu.memory_space<semaphore_mem>>)
    %dma_wait3A_80 = arith.constant 3 : i32
    %dma_wait3A_81 = arith.constant 0 : i32
    %dma_wait3A_82 = tpu.memref_slice %arg5[%dma_wait3A_80, %dma_wait3A_81] : memref<4x128xi32, #tpu.memory_space<vmem>> -> memref<1x128xi32, #tpu.memory_space<vmem>>
    %dma_wait3A_83 = tpu.memref_squeeze %dma_wait3A_82 : memref<1x128xi32, #tpu.memory_space<vmem>> -> memref<128xi32, #tpu.memory_space<vmem>>
    %dma_wait3A_84 = arith.constant 0 : i32
    %dma_wait3A_85 = arith.constant 0 : i32
    %dma_wait3A_86 = tpu.memref_slice %arg3[%dma_wait3A_84, %dma_wait3A_85] : memref<1000000x128xf32, #tpu.memory_space<hbm>> -> memref<1000000x128xf32, #tpu.memory_space<hbm>>
    tpu.wait_indirect_dma semaphore(%arg9 : memref<!tpu.dma_semaphore, #tpu.memory_space<semaphore_mem>>) src(%dma_wait3A_86 : memref<1000000x128xf32, #tpu.memory_space<hbm>>) dst(%arg7 : memref<128x128xf32, #tpu.memory_space<vmem>>)
    %mul3A_87 = arith.constant 512 : i32
    %mul3A_88 = arith.muli %add3A, %mul3A_87 : i32
    %add3A_89 = arith.constant 384 : i32
    %add3A_90 = arith.addi %mul3A_88, %add3A_89 : i32
    %dma_start3A_91 = arith.constant 0 : i32
    %dma_start3A_92 = tpu.memref_slice %arg4[%add3A_90, %dma_start3A_91] : memref<16384x128xf32, #tpu.memory_space<hbm>> -> memref<128x128xf32, #tpu.memory_space<hbm>>
    %dma_start3A_93 = arith.constant 0 : i32
    %dma_start3A_94 = tpu.memref_slice %arg4[%add3A_90, %dma_start3A_93] : memref<16384x128xf32, #tpu.memory_space<hbm>> -> memref<128x128xf32, #tpu.memory_space<hbm>>
    tpu.enqueue_dma source(%arg7 : memref<128x128xf32, #tpu.memory_space<vmem>>) target(%dma_start3A_94 : memref<128x128xf32, #tpu.memory_space<hbm>>) target_semaphore(%arg11 : memref<!tpu.dma_semaphore, #tpu.memory_space<semaphore_mem>>)
    %dma_wait3A_95 = arith.constant 0 : i32
    %dma_wait3A_96 = tpu.memref_slice %arg4[%add3A_75, %dma_wait3A_95] : memref<16384x128xf32, #tpu.memory_space<hbm>> -> memref<128x128xf32, #tpu.memory_space<hbm>>
    %dma_wait3A_97 = arith.constant 0 : i32
    %dma_wait3A_98 = tpu.memref_slice %arg4[%add3A_75, %dma_wait3A_97] : memref<16384x128xf32, #tpu.memory_space<hbm>> -> memref<128x128xf32, #tpu.memory_space<hbm>>
    tpu.wait_dma2 semaphore(%arg10 : memref<!tpu.dma_semaphore, #tpu.memory_space<semaphore_mem>>) src(%arg6 : memref<128x128xf32, #tpu.memory_space<vmem>>) dst(%dma_wait3A_98 : memref<128x128xf32, #tpu.memory_space<hbm>>)
    %dma_wait3A_99 = arith.constant 0 : i32
    %dma_wait3A_100 = tpu.memref_slice %arg4[%add3A_90, %dma_wait3A_99] : memref<16384x128xf32, #tpu.memory_space<hbm>> -> memref<128x128xf32, #tpu.memory_space<hbm>>
    %dma_wait3A_101 = arith.constant 0 : i32
    %dma_wait3A_102 = tpu.memref_slice %arg4[%add3A_90, %dma_wait3A_101] : memref<16384x128xf32, #tpu.memory_space<hbm>> -> memref<128x128xf32, #tpu.memory_space<hbm>>
    tpu.wait_dma2 semaphore(%arg11 : memref<!tpu.dma_semaphore, #tpu.memory_space<semaphore_mem>>) src(%arg7 : memref<128x128xf32, #tpu.memory_space<vmem>>) dst(%dma_wait3A_102 : memref<128x128xf32, #tpu.memory_space<hbm>>)
    return
  }
}

#map = affine_map<(d0, d1) -> (0, 0, 0)>
#map1 = affine_map<(d0, d1) -> (0, 0)>
module attributes {stable_mosaic.version = 14 : i64} {
  func.func @_gather_body(%arg0: i32, %arg1: i32, %arg2: memref<32x4x128xi32, #tpu.memory_space<hbm>>, %arg3: memref<1000000x128xf32, #tpu.memory_space<hbm>>, %arg4: memref<16384x128xf32, #tpu.memory_space<hbm>>, %arg5: memref<4x128xi32, #tpu.memory_space<vmem>>, %arg6: memref<128x128xf32, #tpu.memory_space<vmem>>, %arg7: memref<128x128xf32, #tpu.memory_space<vmem>>, %arg8: memref<!tpu.dma_semaphore, #tpu.memory_space<semaphore_mem>>, %arg9: memref<!tpu.dma_semaphore, #tpu.memory_space<semaphore_mem>>, %arg10: memref<!tpu.dma_semaphore, #tpu.memory_space<semaphore_mem>>, %arg11: memref<!tpu.dma_semaphore, #tpu.memory_space<semaphore_mem>>) attributes {dimension_semantics = [#tpu.dimension_semantics<core_parallel>, #tpu.dimension_semantics<subcore_parallel>], iteration_bounds = array<i64: 2, 16>, scalar_prefetch = 0 : i64, scratch_operands = 7 : i64, tpu.core_type = #tpu.core_type<sc_vector_subcore>, window_params = [{transform_indices = #map}, {transform_indices = #map1}, {transform_indices = #map1}]} {
    %mul3A = arith.constant 2 : i32
    %mul3A_0 = arith.muli %arg1, %mul3A : i32
    %add3A = arith.addi %mul3A_0, %arg0 : i32
    "tpu.region"() ({
      %run_scoped3A = tpu.sem_alloc : memref<!tpu.dma_semaphore, #tpu.memory_space<semaphore_mem>>
      %dma_start3A_103 = arith.constant 0 : i32
      %dma_start3A_104 = arith.constant 0 : i32
      %dma_start3A_105 = tpu.memref_slice %arg2[%add3A, %dma_start3A_103, %dma_start3A_104] : memref<32x4x128xi32, #tpu.memory_space<hbm>> -> memref<1x4x128xi32, #tpu.memory_space<hbm>>
      %dma_start3A_106 = tpu.memref_squeeze %dma_start3A_105 : memref<1x4x128xi32, #tpu.memory_space<hbm>> -> memref<4x128xi32, #tpu.memory_space<hbm>>
      %dma_start3A_107 = arith.constant 0 : i32
      %dma_start3A_108 = arith.constant 0 : i32
      %dma_start3A_109 = tpu.memref_slice %arg2[%add3A, %dma_start3A_107, %dma_start3A_108] : memref<32x4x128xi32, #tpu.memory_space<hbm>> -> memref<1x4x128xi32, #tpu.memory_space<hbm>>
      %dma_start3A_110 = tpu.memref_squeeze %dma_start3A_109 : memref<1x4x128xi32, #tpu.memory_space<hbm>> -> memref<4x128xi32, #tpu.memory_space<hbm>>
      tpu.enqueue_dma source(%dma_start3A_110 : memref<4x128xi32, #tpu.memory_space<hbm>>) target(%arg5 : memref<4x128xi32, #tpu.memory_space<vmem>>) target_semaphore(%run_scoped3A : memref<!tpu.dma_semaphore, #tpu.memory_space<semaphore_mem>>)
      %dma_wait3A_111 = arith.constant 0 : i32
      %dma_wait3A_112 = arith.constant 0 : i32
      %dma_wait3A_113 = tpu.memref_slice %arg2[%add3A, %dma_wait3A_111, %dma_wait3A_112] : memref<32x4x128xi32, #tpu.memory_space<hbm>> -> memref<1x4x128xi32, #tpu.memory_space<hbm>>
      %dma_wait3A_114 = tpu.memref_squeeze %dma_wait3A_113 : memref<1x4x128xi32, #tpu.memory_space<hbm>> -> memref<4x128xi32, #tpu.memory_space<hbm>>
      %dma_wait3A_115 = arith.constant 0 : i32
      %dma_wait3A_116 = arith.constant 0 : i32
      %dma_wait3A_117 = tpu.memref_slice %arg2[%add3A, %dma_wait3A_115, %dma_wait3A_116] : memref<32x4x128xi32, #tpu.memory_space<hbm>> -> memref<1x4x128xi32, #tpu.memory_space<hbm>>
      %dma_wait3A_118 = tpu.memref_squeeze %dma_wait3A_117 : memref<1x4x128xi32, #tpu.memory_space<hbm>> -> memref<4x128xi32, #tpu.memory_space<hbm>>
      tpu.wait_dma2 semaphore(%run_scoped3A : memref<!tpu.dma_semaphore, #tpu.memory_space<semaphore_mem>>) src(%dma_wait3A_118 : memref<4x128xi32, #tpu.memory_space<hbm>>) dst(%arg5 : memref<4x128xi32, #tpu.memory_space<vmem>>)
      tpu.yield
    }) : () -> ()
    %dma_start3A = arith.constant 0 : i32
    %dma_start3A_1 = arith.constant 0 : i32
    %dma_start3A_2 = tpu.memref_slice %arg5[%dma_start3A, %dma_start3A_1] : memref<4x128xi32, #tpu.memory_space<vmem>> -> memref<1x128xi32, #tpu.memory_space<vmem>>
    %dma_start3A_3 = tpu.memref_squeeze %dma_start3A_2 : memref<1x128xi32, #tpu.memory_space<vmem>> -> memref<128xi32, #tpu.memory_space<vmem>>
    %dma_start3A_4 = arith.constant 0 : i32
    %dma_start3A_5 = arith.constant 0 : i32
    %dma_start3A_6 = tpu.memref_slice %arg3[%dma_start3A_4, %dma_start3A_5] : memref<1000000x128xf32, #tpu.memory_space<hbm>> -> memref<1000000x128xf32, #tpu.memory_space<hbm>>
    tpu.enqueue_indirect_dma source(%dma_start3A_6 : memref<1000000x128xf32, #tpu.memory_space<hbm>>) target(%arg6 : memref<128x128xf32, #tpu.memory_space<vmem>>) offsets(%dma_start3A_3 : memref<128xi32, #tpu.memory_space<vmem>>) semaphore(%arg8 : memref<!tpu.dma_semaphore, #tpu.memory_space<semaphore_mem>>)
    %dma_start3A_7 = arith.constant 1 : i32
    %dma_start3A_8 = arith.constant 0 : i32
    %dma_start3A_9 = tpu.memref_slice %arg5[%dma_start3A_7, %dma_start3A_8] : memref<4x128xi32, #tpu.memory_space<vmem>> -> memref<1x128xi32, #tpu.memory_space<vmem>>
    %dma_start3A_10 = tpu.memref_squeeze %dma_start3A_9 : memref<1x128xi32, #tpu.memory_space<vmem>> -> memref<128xi32, #tpu.memory_space<vmem>>
    %dma_start3A_11 = arith.constant 0 : i32
    %dma_start3A_12 = arith.constant 0 : i32
    %dma_start3A_13 = tpu.memref_slice %arg3[%dma_start3A_11, %dma_start3A_12] : memref<1000000x128xf32, #tpu.memory_space<hbm>> -> memref<1000000x128xf32, #tpu.memory_space<hbm>>
    tpu.enqueue_indirect_dma source(%dma_start3A_13 : memref<1000000x128xf32, #tpu.memory_space<hbm>>) target(%arg7 : memref<128x128xf32, #tpu.memory_space<vmem>>) offsets(%dma_start3A_10 : memref<128xi32, #tpu.memory_space<vmem>>) semaphore(%arg9 : memref<!tpu.dma_semaphore, #tpu.memory_space<semaphore_mem>>)
    %dma_wait3A = arith.constant 0 : i32
    %dma_wait3A_14 = arith.constant 0 : i32
    %dma_wait3A_15 = tpu.memref_slice %arg5[%dma_wait3A, %dma_wait3A_14] : memref<4x128xi32, #tpu.memory_space<vmem>> -> memref<1x128xi32, #tpu.memory_space<vmem>>
    %dma_wait3A_16 = tpu.memref_squeeze %dma_wait3A_15 : memref<1x128xi32, #tpu.memory_space<vmem>> -> memref<128xi32, #tpu.memory_space<vmem>>
    %dma_wait3A_17 = arith.constant 0 : i32
    %dma_wait3A_18 = arith.constant 0 : i32
    %dma_wait3A_19 = tpu.memref_slice %arg3[%dma_wait3A_17, %dma_wait3A_18] : memref<1000000x128xf32, #tpu.memory_space<hbm>> -> memref<1000000x128xf32, #tpu.memory_space<hbm>>
    tpu.wait_indirect_dma semaphore(%arg8 : memref<!tpu.dma_semaphore, #tpu.memory_space<semaphore_mem>>) src(%dma_wait3A_19 : memref<1000000x128xf32, #tpu.memory_space<hbm>>) dst(%arg6 : memref<128x128xf32, #tpu.memory_space<vmem>>)
    %mul3A_20 = arith.constant 512 : i32
    %mul3A_21 = arith.muli %add3A, %mul3A_20 : i32
    %add3A_22 = arith.constant 0 : i32
    %add3A_23 = arith.addi %mul3A_21, %add3A_22 : i32
    %dma_start3A_24 = arith.constant 0 : i32
    %dma_start3A_25 = tpu.memref_slice %arg4[%add3A_23, %dma_start3A_24] : memref<16384x128xf32, #tpu.memory_space<hbm>> -> memref<128x128xf32, #tpu.memory_space<hbm>>
    %dma_start3A_26 = arith.constant 0 : i32
    %dma_start3A_27 = tpu.memref_slice %arg4[%add3A_23, %dma_start3A_26] : memref<16384x128xf32, #tpu.memory_space<hbm>> -> memref<128x128xf32, #tpu.memory_space<hbm>>
    tpu.enqueue_dma source(%arg6 : memref<128x128xf32, #tpu.memory_space<vmem>>) target(%dma_start3A_27 : memref<128x128xf32, #tpu.memory_space<hbm>>) target_semaphore(%arg10 : memref<!tpu.dma_semaphore, #tpu.memory_space<semaphore_mem>>)
    %dma_wait3A_28 = arith.constant 0 : i32
    %dma_wait3A_29 = tpu.memref_slice %arg4[%add3A_23, %dma_wait3A_28] : memref<16384x128xf32, #tpu.memory_space<hbm>> -> memref<128x128xf32, #tpu.memory_space<hbm>>
    %dma_wait3A_30 = arith.constant 0 : i32
    %dma_wait3A_31 = tpu.memref_slice %arg4[%add3A_23, %dma_wait3A_30] : memref<16384x128xf32, #tpu.memory_space<hbm>> -> memref<128x128xf32, #tpu.memory_space<hbm>>
    tpu.wait_dma2 semaphore(%arg10 : memref<!tpu.dma_semaphore, #tpu.memory_space<semaphore_mem>>) src(%arg6 : memref<128x128xf32, #tpu.memory_space<vmem>>) dst(%dma_wait3A_31 : memref<128x128xf32, #tpu.memory_space<hbm>>)
    %dma_start3A_32 = arith.constant 2 : i32
    %dma_start3A_33 = arith.constant 0 : i32
    %dma_start3A_34 = tpu.memref_slice %arg5[%dma_start3A_32, %dma_start3A_33] : memref<4x128xi32, #tpu.memory_space<vmem>> -> memref<1x128xi32, #tpu.memory_space<vmem>>
    %dma_start3A_35 = tpu.memref_squeeze %dma_start3A_34 : memref<1x128xi32, #tpu.memory_space<vmem>> -> memref<128xi32, #tpu.memory_space<vmem>>
    %dma_start3A_36 = arith.constant 0 : i32
    %dma_start3A_37 = arith.constant 0 : i32
    %dma_start3A_38 = tpu.memref_slice %arg3[%dma_start3A_36, %dma_start3A_37] : memref<1000000x128xf32, #tpu.memory_space<hbm>> -> memref<1000000x128xf32, #tpu.memory_space<hbm>>
    tpu.enqueue_indirect_dma source(%dma_start3A_38 : memref<1000000x128xf32, #tpu.memory_space<hbm>>) target(%arg6 : memref<128x128xf32, #tpu.memory_space<vmem>>) offsets(%dma_start3A_35 : memref<128xi32, #tpu.memory_space<vmem>>) semaphore(%arg8 : memref<!tpu.dma_semaphore, #tpu.memory_space<semaphore_mem>>)
    %dma_wait3A_39 = arith.constant 1 : i32
    %dma_wait3A_40 = arith.constant 0 : i32
    %dma_wait3A_41 = tpu.memref_slice %arg5[%dma_wait3A_39, %dma_wait3A_40] : memref<4x128xi32, #tpu.memory_space<vmem>> -> memref<1x128xi32, #tpu.memory_space<vmem>>
    %dma_wait3A_42 = tpu.memref_squeeze %dma_wait3A_41 : memref<1x128xi32, #tpu.memory_space<vmem>> -> memref<128xi32, #tpu.memory_space<vmem>>
    %dma_wait3A_43 = arith.constant 0 : i32
    %dma_wait3A_44 = arith.constant 0 : i32
    %dma_wait3A_45 = tpu.memref_slice %arg3[%dma_wait3A_43, %dma_wait3A_44] : memref<1000000x128xf32, #tpu.memory_space<hbm>> -> memref<1000000x128xf32, #tpu.memory_space<hbm>>
    tpu.wait_indirect_dma semaphore(%arg9 : memref<!tpu.dma_semaphore, #tpu.memory_space<semaphore_mem>>) src(%dma_wait3A_45 : memref<1000000x128xf32, #tpu.memory_space<hbm>>) dst(%arg7 : memref<128x128xf32, #tpu.memory_space<vmem>>)
    %mul3A_46 = arith.constant 512 : i32
    %mul3A_47 = arith.muli %add3A, %mul3A_46 : i32
    %add3A_48 = arith.constant 128 : i32
    %add3A_49 = arith.addi %mul3A_47, %add3A_48 : i32
    %dma_start3A_50 = arith.constant 0 : i32
    %dma_start3A_51 = tpu.memref_slice %arg4[%add3A_49, %dma_start3A_50] : memref<16384x128xf32, #tpu.memory_space<hbm>> -> memref<128x128xf32, #tpu.memory_space<hbm>>
    %dma_start3A_52 = arith.constant 0 : i32
    %dma_start3A_53 = tpu.memref_slice %arg4[%add3A_49, %dma_start3A_52] : memref<16384x128xf32, #tpu.memory_space<hbm>> -> memref<128x128xf32, #tpu.memory_space<hbm>>
    tpu.enqueue_dma source(%arg7 : memref<128x128xf32, #tpu.memory_space<vmem>>) target(%dma_start3A_53 : memref<128x128xf32, #tpu.memory_space<hbm>>) target_semaphore(%arg11 : memref<!tpu.dma_semaphore, #tpu.memory_space<semaphore_mem>>)
    %dma_wait3A_54 = arith.constant 0 : i32
    %dma_wait3A_55 = tpu.memref_slice %arg4[%add3A_49, %dma_wait3A_54] : memref<16384x128xf32, #tpu.memory_space<hbm>> -> memref<128x128xf32, #tpu.memory_space<hbm>>
    %dma_wait3A_56 = arith.constant 0 : i32
    %dma_wait3A_57 = tpu.memref_slice %arg4[%add3A_49, %dma_wait3A_56] : memref<16384x128xf32, #tpu.memory_space<hbm>> -> memref<128x128xf32, #tpu.memory_space<hbm>>
    tpu.wait_dma2 semaphore(%arg11 : memref<!tpu.dma_semaphore, #tpu.memory_space<semaphore_mem>>) src(%arg7 : memref<128x128xf32, #tpu.memory_space<vmem>>) dst(%dma_wait3A_57 : memref<128x128xf32, #tpu.memory_space<hbm>>)
    %dma_start3A_58 = arith.constant 3 : i32
    %dma_start3A_59 = arith.constant 0 : i32
    %dma_start3A_60 = tpu.memref_slice %arg5[%dma_start3A_58, %dma_start3A_59] : memref<4x128xi32, #tpu.memory_space<vmem>> -> memref<1x128xi32, #tpu.memory_space<vmem>>
    %dma_start3A_61 = tpu.memref_squeeze %dma_start3A_60 : memref<1x128xi32, #tpu.memory_space<vmem>> -> memref<128xi32, #tpu.memory_space<vmem>>
    %dma_start3A_62 = arith.constant 0 : i32
    %dma_start3A_63 = arith.constant 0 : i32
    %dma_start3A_64 = tpu.memref_slice %arg3[%dma_start3A_62, %dma_start3A_63] : memref<1000000x128xf32, #tpu.memory_space<hbm>> -> memref<1000000x128xf32, #tpu.memory_space<hbm>>
    tpu.enqueue_indirect_dma source(%dma_start3A_64 : memref<1000000x128xf32, #tpu.memory_space<hbm>>) target(%arg7 : memref<128x128xf32, #tpu.memory_space<vmem>>) offsets(%dma_start3A_61 : memref<128xi32, #tpu.memory_space<vmem>>) semaphore(%arg9 : memref<!tpu.dma_semaphore, #tpu.memory_space<semaphore_mem>>)
    %dma_wait3A_65 = arith.constant 2 : i32
    %dma_wait3A_66 = arith.constant 0 : i32
    %dma_wait3A_67 = tpu.memref_slice %arg5[%dma_wait3A_65, %dma_wait3A_66] : memref<4x128xi32, #tpu.memory_space<vmem>> -> memref<1x128xi32, #tpu.memory_space<vmem>>
    %dma_wait3A_68 = tpu.memref_squeeze %dma_wait3A_67 : memref<1x128xi32, #tpu.memory_space<vmem>> -> memref<128xi32, #tpu.memory_space<vmem>>
    %dma_wait3A_69 = arith.constant 0 : i32
    %dma_wait3A_70 = arith.constant 0 : i32
    %dma_wait3A_71 = tpu.memref_slice %arg3[%dma_wait3A_69, %dma_wait3A_70] : memref<1000000x128xf32, #tpu.memory_space<hbm>> -> memref<1000000x128xf32, #tpu.memory_space<hbm>>
    tpu.wait_indirect_dma semaphore(%arg8 : memref<!tpu.dma_semaphore, #tpu.memory_space<semaphore_mem>>) src(%dma_wait3A_71 : memref<1000000x128xf32, #tpu.memory_space<hbm>>) dst(%arg6 : memref<128x128xf32, #tpu.memory_space<vmem>>)
    %mul3A_72 = arith.constant 512 : i32
    %mul3A_73 = arith.muli %add3A, %mul3A_72 : i32
    %add3A_74 = arith.constant 256 : i32
    %add3A_75 = arith.addi %mul3A_73, %add3A_74 : i32
    %dma_start3A_76 = arith.constant 0 : i32
    %dma_start3A_77 = tpu.memref_slice %arg4[%add3A_75, %dma_start3A_76] : memref<16384x128xf32, #tpu.memory_space<hbm>> -> memref<128x128xf32, #tpu.memory_space<hbm>>
    %dma_start3A_78 = arith.constant 0 : i32
    %dma_start3A_79 = tpu.memref_slice %arg4[%add3A_75, %dma_start3A_78] : memref<16384x128xf32, #tpu.memory_space<hbm>> -> memref<128x128xf32, #tpu.memory_space<hbm>>
    tpu.enqueue_dma source(%arg6 : memref<128x128xf32, #tpu.memory_space<vmem>>) target(%dma_start3A_79 : memref<128x128xf32, #tpu.memory_space<hbm>>) target_semaphore(%arg10 : memref<!tpu.dma_semaphore, #tpu.memory_space<semaphore_mem>>)
    %dma_wait3A_80 = arith.constant 3 : i32
    %dma_wait3A_81 = arith.constant 0 : i32
    %dma_wait3A_82 = tpu.memref_slice %arg5[%dma_wait3A_80, %dma_wait3A_81] : memref<4x128xi32, #tpu.memory_space<vmem>> -> memref<1x128xi32, #tpu.memory_space<vmem>>
    %dma_wait3A_83 = tpu.memref_squeeze %dma_wait3A_82 : memref<1x128xi32, #tpu.memory_space<vmem>> -> memref<128xi32, #tpu.memory_space<vmem>>
    %dma_wait3A_84 = arith.constant 0 : i32
    %dma_wait3A_85 = arith.constant 0 : i32
    %dma_wait3A_86 = tpu.memref_slice %arg3[%dma_wait3A_84, %dma_wait3A_85] : memref<1000000x128xf32, #tpu.memory_space<hbm>> -> memref<1000000x128xf32, #tpu.memory_space<hbm>>
    tpu.wait_indirect_dma semaphore(%arg9 : memref<!tpu.dma_semaphore, #tpu.memory_space<semaphore_mem>>) src(%dma_wait3A_86 : memref<1000000x128xf32, #tpu.memory_space<hbm>>) dst(%arg7 : memref<128x128xf32, #tpu.memory_space<vmem>>)
    %mul3A_87 = arith.constant 512 : i32
    %mul3A_88 = arith.muli %add3A, %mul3A_87 : i32
    %add3A_89 = arith.constant 384 : i32
    %add3A_90 = arith.addi %mul3A_88, %add3A_89 : i32
    %dma_start3A_91 = arith.constant 0 : i32
    %dma_start3A_92 = tpu.memref_slice %arg4[%add3A_90, %dma_start3A_91] : memref<16384x128xf32, #tpu.memory_space<hbm>> -> memref<128x128xf32, #tpu.memory_space<hbm>>
    %dma_start3A_93 = arith.constant 0 : i32
    %dma_start3A_94 = tpu.memref_slice %arg4[%add3A_90, %dma_start3A_93] : memref<16384x128xf32, #tpu.memory_space<hbm>> -> memref<128x128xf32, #tpu.memory_space<hbm>>
    tpu.enqueue_dma source(%arg7 : memref<128x128xf32, #tpu.memory_space<vmem>>) target(%dma_start3A_94 : memref<128x128xf32, #tpu.memory_space<hbm>>) target_semaphore(%arg11 : memref<!tpu.dma_semaphore, #tpu.memory_space<semaphore_mem>>)
    %dma_wait3A_95 = arith.constant 0 : i32
    %dma_wait3A_96 = tpu.memref_slice %arg4[%add3A_75, %dma_wait3A_95] : memref<16384x128xf32, #tpu.memory_space<hbm>> -> memref<128x128xf32, #tpu.memory_space<hbm>>
    %dma_wait3A_97 = arith.constant 0 : i32
    %dma_wait3A_98 = tpu.memref_slice %arg4[%add3A_75, %dma_wait3A_97] : memref<16384x128xf32, #tpu.memory_space<hbm>> -> memref<128x128xf32, #tpu.memory_space<hbm>>
    tpu.wait_dma2 semaphore(%arg10 : memref<!tpu.dma_semaphore, #tpu.memory_space<semaphore_mem>>) src(%arg6 : memref<128x128xf32, #tpu.memory_space<vmem>>) dst(%dma_wait3A_98 : memref<128x128xf32, #tpu.memory_space<hbm>>)
    %dma_wait3A_99 = arith.constant 0 : i32
    %dma_wait3A_100 = tpu.memref_slice %arg4[%add3A_90, %dma_wait3A_99] : memref<16384x128xf32, #tpu.memory_space<hbm>> -> memref<128x128xf32, #tpu.memory_space<hbm>>
    %dma_wait3A_101 = arith.constant 0 : i32
    %dma_wait3A_102 = tpu.memref_slice %arg4[%add3A_90, %dma_wait3A_101] : memref<16384x128xf32, #tpu.memory_space<hbm>> -> memref<128x128xf32, #tpu.memory_space<hbm>>
    tpu.wait_dma2 semaphore(%arg11 : memref<!tpu.dma_semaphore, #tpu.memory_space<semaphore_mem>>) src(%arg7 : memref<128x128xf32, #tpu.memory_space<vmem>>) dst(%dma_wait3A_102 : memref<128x128xf32, #tpu.memory_space<hbm>>)
    return
  }
}

#map = affine_map<(d0, d1) -> (0, 0)>
#map1 = affine_map<(d0, d1) -> (0)>
module attributes {stable_mosaic.version = 14 : i64} {
  func.func @_dot_body(%arg0: i32, %arg1: i32, %arg2: memref<16384x128xf32, #tpu.memory_space<hbm>>, %arg3: memref<16384x128xf32, #tpu.memory_space<hbm>>, %arg4: memref<16384xf32, #tpu.memory_space<hbm>>, %arg5: memref<128x128xf32, #tpu.memory_space<vmem>>, %arg6: memref<128x128xf32, #tpu.memory_space<vmem>>, %arg7: memref<128x128xf32, #tpu.memory_space<vmem>>, %arg8: memref<128x128xf32, #tpu.memory_space<vmem>>, %arg9: memref<512xf32, #tpu.memory_space<vmem>>, %arg10: memref<!tpu.dma_semaphore, #tpu.memory_space<semaphore_mem>>, %arg11: memref<!tpu.dma_semaphore, #tpu.memory_space<semaphore_mem>>) attributes {dimension_semantics = [#tpu.dimension_semantics<core_parallel>, #tpu.dimension_semantics<subcore_parallel>], iteration_bounds = array<i64: 2, 16>, scalar_prefetch = 0 : i64, scratch_operands = 7 : i64, tpu.core_type = #tpu.core_type<sc_vector_subcore>, window_params = [{transform_indices = #map}, {transform_indices = #map}, {transform_indices = #map1}]} {
    %mul3A = arith.constant 2 : i32
    %mul3A_0 = arith.muli %arg1, %mul3A : i32
    %add3A = arith.addi %mul3A_0, %arg0 : i32
    %iota3A = tpu.iota {dimensions = array<i32: 0>} : vector<16xi32>
    %broadcast_in_dim3A = arith.constant 0 : i32
    %broadcast_in_dim3A_1 = vector.broadcast %broadcast_in_dim3A : i32 to vector<16xi32>
    %mul3A_2 = arith.constant 512 : i32
    %mul3A_3 = arith.muli %add3A, %mul3A_2 : i32
    %add3A_4 = arith.constant 0 : i32
    %add3A_5 = arith.addi %mul3A_3, %add3A_4 : i32
    %dma_start3A = arith.constant 0 : i32
    %dma_start3A_6 = tpu.memref_slice %arg2[%add3A_5, %dma_start3A] : memref<16384x128xf32, #tpu.memory_space<hbm>> -> memref<128x128xf32, #tpu.memory_space<hbm>>
    %dma_start3A_7 = arith.constant 0 : i32
    %dma_start3A_8 = tpu.memref_slice %arg2[%add3A_5, %dma_start3A_7] : memref<16384x128xf32, #tpu.memory_space<hbm>> -> memref<128x128xf32, #tpu.memory_space<hbm>>
    tpu.enqueue_dma source(%dma_start3A_8 : memref<128x128xf32, #tpu.memory_space<hbm>>) target(%arg5 : memref<128x128xf32, #tpu.memory_space<vmem>>) target_semaphore(%arg10 : memref<!tpu.dma_semaphore, #tpu.memory_space<semaphore_mem>>)
    %dma_start3A_9 = arith.constant 0 : i32
    %dma_start3A_10 = tpu.memref_slice %arg3[%add3A_5, %dma_start3A_9] : memref<16384x128xf32, #tpu.memory_space<hbm>> -> memref<128x128xf32, #tpu.memory_space<hbm>>
    %dma_start3A_11 = arith.constant 0 : i32
    %dma_start3A_12 = tpu.memref_slice %arg3[%add3A_5, %dma_start3A_11] : memref<16384x128xf32, #tpu.memory_space<hbm>> -> memref<128x128xf32, #tpu.memory_space<hbm>>
    tpu.enqueue_dma source(%dma_start3A_12 : memref<128x128xf32, #tpu.memory_space<hbm>>) target(%arg7 : memref<128x128xf32, #tpu.memory_space<vmem>>) target_semaphore(%arg10 : memref<!tpu.dma_semaphore, #tpu.memory_space<semaphore_mem>>)
    %mul3A_13 = arith.constant 512 : i32
    %mul3A_14 = arith.muli %add3A, %mul3A_13 : i32
    %add3A_15 = arith.constant 128 : i32
    %add3A_16 = arith.addi %mul3A_14, %add3A_15 : i32
    %dma_start3A_17 = arith.constant 0 : i32
    %dma_start3A_18 = tpu.memref_slice %arg2[%add3A_16, %dma_start3A_17] : memref<16384x128xf32, #tpu.memory_space<hbm>> -> memref<128x128xf32, #tpu.memory_space<hbm>>
    %dma_start3A_19 = arith.constant 0 : i32
    %dma_start3A_20 = tpu.memref_slice %arg2[%add3A_16, %dma_start3A_19] : memref<16384x128xf32, #tpu.memory_space<hbm>> -> memref<128x128xf32, #tpu.memory_space<hbm>>
    tpu.enqueue_dma source(%dma_start3A_20 : memref<128x128xf32, #tpu.memory_space<hbm>>) target(%arg6 : memref<128x128xf32, #tpu.memory_space<vmem>>) target_semaphore(%arg11 : memref<!tpu.dma_semaphore, #tpu.memory_space<semaphore_mem>>)
    %dma_start3A_21 = arith.constant 0 : i32
    %dma_start3A_22 = tpu.memref_slice %arg3[%add3A_16, %dma_start3A_21] : memref<16384x128xf32, #tpu.memory_space<hbm>> -> memref<128x128xf32, #tpu.memory_space<hbm>>
    %dma_start3A_23 = arith.constant 0 : i32
    %dma_start3A_24 = tpu.memref_slice %arg3[%add3A_16, %dma_start3A_23] : memref<16384x128xf32, #tpu.memory_space<hbm>> -> memref<128x128xf32, #tpu.memory_space<hbm>>
    tpu.enqueue_dma source(%dma_start3A_24 : memref<128x128xf32, #tpu.memory_space<hbm>>) target(%arg8 : memref<128x128xf32, #tpu.memory_space<vmem>>) target_semaphore(%arg11 : memref<!tpu.dma_semaphore, #tpu.memory_space<semaphore_mem>>)
    %dma_wait3A = arith.constant 0 : i32
    %dma_wait3A_25 = tpu.memref_slice %arg2[%add3A_5, %dma_wait3A] : memref<16384x128xf32, #tpu.memory_space<hbm>> -> memref<128x128xf32, #tpu.memory_space<hbm>>
    %dma_wait3A_26 = arith.constant 0 : i32
    %dma_wait3A_27 = tpu.memref_slice %arg2[%add3A_5, %dma_wait3A_26] : memref<16384x128xf32, #tpu.memory_space<hbm>> -> memref<128x128xf32, #tpu.memory_space<hbm>>
    tpu.wait_dma2 semaphore(%arg10 : memref<!tpu.dma_semaphore, #tpu.memory_space<semaphore_mem>>) src(%dma_wait3A_27 : memref<128x128xf32, #tpu.memory_space<hbm>>) dst(%arg5 : memref<128x128xf32, #tpu.memory_space<vmem>>)
    %dma_wait3A_28 = arith.constant 0 : i32
    %dma_wait3A_29 = tpu.memref_slice %arg3[%add3A_5, %dma_wait3A_28] : memref<16384x128xf32, #tpu.memory_space<hbm>> -> memref<128x128xf32, #tpu.memory_space<hbm>>
    %dma_wait3A_30 = arith.constant 0 : i32
    %dma_wait3A_31 = tpu.memref_slice %arg3[%add3A_5, %dma_wait3A_30] : memref<16384x128xf32, #tpu.memory_space<hbm>> -> memref<128x128xf32, #tpu.memory_space<hbm>>
    tpu.wait_dma2 semaphore(%arg10 : memref<!tpu.dma_semaphore, #tpu.memory_space<semaphore_mem>>) src(%dma_wait3A_31 : memref<128x128xf32, #tpu.memory_space<hbm>>) dst(%arg7 : memref<128x128xf32, #tpu.memory_space<vmem>>)
    %scan3A = arith.constant 0 : i32
    %scan3A_32 = arith.constant 0 : i32
    %scan3A_33 = arith.constant 8 : i32
    %scan3A_34 = arith.addi %scan3A_32, %scan3A_33 : i32
    %scan3A_35 = arith.constant 1 : i32
    scf.for %scan3A_105 = %scan3A_32 to %scan3A_34 step %scan3A_35  : i32 {
      %mul3A_106 = arith.constant 16 : i32
      %mul3A_107 = arith.muli %scan3A_105, %mul3A_106 : i32
      %add3A_108 = vector.broadcast %mul3A_107 : i32 to vector<16xi32>
      %add3A_109 = arith.addi %add3A_108, %iota3A : vector<16xi32>
      %broadcast_in_dim3A_110 = arith.constant 0.000000e+00 : f32
      %broadcast_in_dim3A_111 = vector.broadcast %broadcast_in_dim3A_110 : f32 to vector<16xf32>
      %scan3A_112 = arith.constant 0 : i32
      %scan3A_113 = arith.constant 8 : i32
      %scan3A_114 = arith.addi %scan3A_112, %scan3A_113 : i32
      %scan3A_115 = arith.constant 1 : i32
      %scan3A_116 = scf.for %scan3A_123 = %scan3A_112 to %scan3A_114 step %scan3A_115 iter_args(%scan3A_124 = %broadcast_in_dim3A_111) -> (vector<16xf32>)  : i32 {
        %mul3A_125 = arith.constant 8 : i32
        %mul3A_126 = arith.muli %scan3A_123, %mul3A_125 : i32
        %add3A_127 = arith.constant 0 : i32
        %add3A_128 = arith.addi %mul3A_126, %add3A_127 : i32
        %add3A_129 = vector.broadcast %add3A_128 : i32 to vector<16xi32>
        %add3A_130 = arith.addi %broadcast_in_dim3A_1, %add3A_129 : vector<16xi32>
        %gather3A = tpu.vector_load_idx %arg5[%add3A_109, %add3A_130] : memref<128x128xf32, #tpu.memory_space<vmem>>[vector<16xi32>, vector<16xi32>], vector<16xf32>,
        %gather3A_131 = tpu.vector_load_idx %arg7[%add3A_109, %add3A_130] : memref<128x128xf32, #tpu.memory_space<vmem>>[vector<16xi32>, vector<16xi32>], vector<16xf32>,
        %mul3A_132 = arith.mulf %gather3A, %gather3A_131 : vector<16xf32>
        %add3A_133 = arith.addf %scan3A_124, %mul3A_132 : vector<16xf32>
        %mul3A_134 = arith.constant 8 : i32
        %mul3A_135 = arith.muli %scan3A_123, %mul3A_134 : i32
        %add3A_136 = arith.constant 1 : i32
        %add3A_137 = arith.addi %mul3A_135, %add3A_136 : i32
        %add3A_138 = vector.broadcast %add3A_137 : i32 to vector<16xi32>
        %add3A_139 = arith.addi %broadcast_in_dim3A_1, %add3A_138 : vector<16xi32>
        %gather3A_140 = tpu.vector_load_idx %arg5[%add3A_109, %add3A_139] : memref<128x128xf32, #tpu.memory_space<vmem>>[vector<16xi32>, vector<16xi32>], vector<16xf32>,
        %gather3A_141 = tpu.vector_load_idx %arg7[%add3A_109, %add3A_139] : memref<128x128xf32, #tpu.memory_space<vmem>>[vector<16xi32>, vector<16xi32>], vector<16xf32>,
        %mul3A_142 = arith.mulf %gather3A_140, %gather3A_141 : vector<16xf32>
        %add3A_143 = arith.addf %add3A_133, %mul3A_142 : vector<16xf32>
        %mul3A_144 = arith.constant 8 : i32
        %mul3A_145 = arith.muli %scan3A_123, %mul3A_144 : i32
        %add3A_146 = arith.constant 2 : i32
        %add3A_147 = arith.addi %mul3A_145, %add3A_146 : i32
        %add3A_148 = vector.broadcast %add3A_147 : i32 to vector<16xi32>
        %add3A_149 = arith.addi %broadcast_in_dim3A_1, %add3A_148 : vector<16xi32>
        %gather3A_150 = tpu.vector_load_idx %arg5[%add3A_109, %add3A_149] : memref<128x128xf32, #tpu.memory_space<vmem>>[vector<16xi32>, vector<16xi32>], vector<16xf32>,
        %gather3A_151 = tpu.vector_load_idx %arg7[%add3A_109, %add3A_149] : memref<128x128xf32, #tpu.memory_space<vmem>>[vector<16xi32>, vector<16xi32>], vector<16xf32>,
        %mul3A_152 = arith.mulf %gather3A_150, %gather3A_151 : vector<16xf32>
        %add3A_153 = arith.addf %add3A_143, %mul3A_152 : vector<16xf32>
        %mul3A_154 = arith.constant 8 : i32
        %mul3A_155 = arith.muli %scan3A_123, %mul3A_154 : i32
        %add3A_156 = arith.constant 3 : i32
        %add3A_157 = arith.addi %mul3A_155, %add3A_156 : i32
        %add3A_158 = vector.broadcast %add3A_157 : i32 to vector<16xi32>
        %add3A_159 = arith.addi %broadcast_in_dim3A_1, %add3A_158 : vector<16xi32>
        %gather3A_160 = tpu.vector_load_idx %arg5[%add3A_109, %add3A_159] : memref<128x128xf32, #tpu.memory_space<vmem>>[vector<16xi32>, vector<16xi32>], vector<16xf32>,
        %gather3A_161 = tpu.vector_load_idx %arg7[%add3A_109, %add3A_159] : memref<128x128xf32, #tpu.memory_space<vmem>>[vector<16xi32>, vector<16xi32>], vector<16xf32>,
        %mul3A_162 = arith.mulf %gather3A_160, %gather3A_161 : vector<16xf32>
        %add3A_163 = arith.addf %add3A_153, %mul3A_162 : vector<16xf32>
        %mul3A_164 = arith.constant 8 : i32
        %mul3A_165 = arith.muli %scan3A_123, %mul3A_164 : i32
        %add3A_166 = arith.constant 4 : i32
        %add3A_167 = arith.addi %mul3A_165, %add3A_166 : i32
        %add3A_168 = vector.broadcast %add3A_167 : i32 to vector<16xi32>
        %add3A_169 = arith.addi %broadcast_in_dim3A_1, %add3A_168 : vector<16xi32>
        %gather3A_170 = tpu.vector_load_idx %arg5[%add3A_109, %add3A_169] : memref<128x128xf32, #tpu.memory_space<vmem>>[vector<16xi32>, vector<16xi32>], vector<16xf32>,
        %gather3A_171 = tpu.vector_load_idx %arg7[%add3A_109, %add3A_169] : memref<128x128xf32, #tpu.memory_space<vmem>>[vector<16xi32>, vector<16xi32>], vector<16xf32>,
        %mul3A_172 = arith.mulf %gather3A_170, %gather3A_171 : vector<16xf32>
        %add3A_173 = arith.addf %add3A_163, %mul3A_172 : vector<16xf32>
        %mul3A_174 = arith.constant 8 : i32
        %mul3A_175 = arith.muli %scan3A_123, %mul3A_174 : i32
        %add3A_176 = arith.constant 5 : i32
        %add3A_177 = arith.addi %mul3A_175, %add3A_176 : i32
        %add3A_178 = vector.broadcast %add3A_177 : i32 to vector<16xi32>
        %add3A_179 = arith.addi %broadcast_in_dim3A_1, %add3A_178 : vector<16xi32>
        %gather3A_180 = tpu.vector_load_idx %arg5[%add3A_109, %add3A_179] : memref<128x128xf32, #tpu.memory_space<vmem>>[vector<16xi32>, vector<16xi32>], vector<16xf32>,
        %gather3A_181 = tpu.vector_load_idx %arg7[%add3A_109, %add3A_179] : memref<128x128xf32, #tpu.memory_space<vmem>>[vector<16xi32>, vector<16xi32>], vector<16xf32>,
        %mul3A_182 = arith.mulf %gather3A_180, %gather3A_181 : vector<16xf32>
        %add3A_183 = arith.addf %add3A_173, %mul3A_182 : vector<16xf32>
        %mul3A_184 = arith.constant 8 : i32
        %mul3A_185 = arith.muli %scan3A_123, %mul3A_184 : i32
        %add3A_186 = arith.constant 6 : i32
        %add3A_187 = arith.addi %mul3A_185, %add3A_186 : i32
        %add3A_188 = vector.broadcast %add3A_187 : i32 to vector<16xi32>
        %add3A_189 = arith.addi %broadcast_in_dim3A_1, %add3A_188 : vector<16xi32>
        %gather3A_190 = tpu.vector_load_idx %arg5[%add3A_109, %add3A_189] : memref<128x128xf32, #tpu.memory_space<vmem>>[vector<16xi32>, vector<16xi32>], vector<16xf32>,
        %gather3A_191 = tpu.vector_load_idx %arg7[%add3A_109, %add3A_189] : memref<128x128xf32, #tpu.memory_space<vmem>>[vector<16xi32>, vector<16xi32>], vector<16xf32>,
        %mul3A_192 = arith.mulf %gather3A_190, %gather3A_191 : vector<16xf32>
        %add3A_193 = arith.addf %add3A_183, %mul3A_192 : vector<16xf32>
        %mul3A_194 = arith.constant 8 : i32
        %mul3A_195 = arith.muli %scan3A_123, %mul3A_194 : i32
        %add3A_196 = arith.constant 7 : i32
        %add3A_197 = arith.addi %mul3A_195, %add3A_196 : i32
        %add3A_198 = vector.broadcast %add3A_197 : i32 to vector<16xi32>
        %add3A_199 = arith.addi %broadcast_in_dim3A_1, %add3A_198 : vector<16xi32>
        %gather3A_200 = tpu.vector_load_idx %arg5[%add3A_109, %add3A_199] : memref<128x128xf32, #tpu.memory_space<vmem>>[vector<16xi32>, vector<16xi32>], vector<16xf32>,
        %gather3A_201 = tpu.vector_load_idx %arg7[%add3A_109, %add3A_199] : memref<128x128xf32, #tpu.memory_space<vmem>>[vector<16xi32>, vector<16xi32>], vector<16xf32>,
        %mul3A_202 = arith.mulf %gather3A_200, %gather3A_201 : vector<16xf32>
        %add3A_203 = arith.addf %add3A_193, %mul3A_202 : vector<16xf32>
        scf.yield %add3A_203 : vector<16xf32>
      }
      %scan3A_117 = arith.constant 8 : i32
      %mul3A_118 = arith.constant 16 : i32
      %mul3A_119 = arith.muli %scan3A_105, %mul3A_118 : i32
      %add3A_120 = arith.constant 0 : i32
      %add3A_121 = arith.addi %add3A_120, %mul3A_119 : i32
      %swap3A = arith.index_cast %add3A_121 : i32 to index
      %swap3A_122 = tpu.vector_load %arg9[%swap3A] {strides = array<i32>} : memref<512xf32, #tpu.memory_space<vmem>>, vector<16xf32>,
      tpu.vector_store %arg9[%swap3A], %scan3A_116 {strides = array<i32>} : memref<512xf32, #tpu.memory_space<vmem>>, vector<16xf32>,
    }
    %scan3A_36 = arith.constant 8 : i32
    %mul3A_37 = arith.constant 512 : i32
    %mul3A_38 = arith.muli %add3A, %mul3A_37 : i32
    %add3A_39 = arith.constant 256 : i32
    %add3A_40 = arith.addi %mul3A_38, %add3A_39 : i32
    %dma_start3A_41 = arith.constant 0 : i32
    %dma_start3A_42 = tpu.memref_slice %arg2[%add3A_40, %dma_start3A_41] : memref<16384x128xf32, #tpu.memory_space<hbm>> -> memref<128x128xf32, #tpu.memory_space<hbm>>
    %dma_start3A_43 = arith.constant 0 : i32
    %dma_start3A_44 = tpu.memref_slice %arg2[%add3A_40, %dma_start3A_43] : memref<16384x128xf32, #tpu.memory_space<hbm>> -> memref<128x128xf32, #tpu.memory_space<hbm>>
    tpu.enqueue_dma source(%dma_start3A_44 : memref<128x128xf32, #tpu.memory_space<hbm>>) target(%arg5 : memref<128x128xf32, #tpu.memory_space<vmem>>) target_semaphore(%arg10 : memref<!tpu.dma_semaphore, #tpu.memory_space<semaphore_mem>>)
    %dma_start3A_45 = arith.constant 0 : i32
    %dma_start3A_46 = tpu.memref_slice %arg3[%add3A_40, %dma_start3A_45] : memref<16384x128xf32, #tpu.memory_space<hbm>> -> memref<128x128xf32, #tpu.memory_space<hbm>>
    %dma_start3A_47 = arith.constant 0 : i32
    %dma_start3A_48 = tpu.memref_slice %arg3[%add3A_40, %dma_start3A_47] : memref<16384x128xf32, #tpu.memory_space<hbm>> -> memref<128x128xf32, #tpu.memory_space<hbm>>
    tpu.enqueue_dma source(%dma_start3A_48 : memref<128x128xf32, #tpu.memory_space<hbm>>) target(%arg7 : memref<128x128xf32, #tpu.memory_space<vmem>>) target_semaphore(%arg10 : memref<!tpu.dma_semaphore, #tpu.memory_space<semaphore_mem>>)
    %dma_wait3A_49 = arith.constant 0 : i32
    %dma_wait3A_50 = tpu.memref_slice %arg2[%add3A_16, %dma_wait3A_49] : memref<16384x128xf32, #tpu.memory_space<hbm>> -> memref<128x128xf32, #tpu.memory_space<hbm>>
    %dma_wait3A_51 = arith.constant 0 : i32
    %dma_wait3A_52 = tpu.memref_slice %arg2[%add3A_16, %dma_wait3A_51] : memref<16384x128xf32, #tpu.memory_space<hbm>> -> memref<128x128xf32, #tpu.memory_space<hbm>>
    tpu.wait_dma2 semaphore(%arg11 : memref<!tpu.dma_semaphore, #tpu.memory_space<semaphore_mem>>) src(%dma_wait3A_52 : memref<128x128xf32, #tpu.memory_space<hbm>>) dst(%arg6 : memref<128x128xf32, #tpu.memory_space<vmem>>)
    %dma_wait3A_53 = arith.constant 0 : i32
    %dma_wait3A_54 = tpu.memref_slice %arg3[%add3A_16, %dma_wait3A_53] : memref<16384x128xf32, #tpu.memory_space<hbm>> -> memref<128x128xf32, #tpu.memory_space<hbm>>
    %dma_wait3A_55 = arith.constant 0 : i32
    %dma_wait3A_56 = tpu.memref_slice %arg3[%add3A_16, %dma_wait3A_55] : memref<16384x128xf32, #tpu.memory_space<hbm>> -> memref<128x128xf32, #tpu.memory_space<hbm>>
    tpu.wait_dma2 semaphore(%arg11 : memref<!tpu.dma_semaphore, #tpu.memory_space<semaphore_mem>>) src(%dma_wait3A_56 : memref<128x128xf32, #tpu.memory_space<hbm>>) dst(%arg8 : memref<128x128xf32, #tpu.memory_space<vmem>>)
    %scan3A_57 = arith.constant 0 : i32
    %scan3A_58 = arith.constant 0 : i32
    %scan3A_59 = arith.constant 8 : i32
    %scan3A_60 = arith.addi %scan3A_58, %scan3A_59 : i32
    %scan3A_61 = arith.constant 1 : i32
    scf.for %scan3A_105 = %scan3A_58 to %scan3A_60 step %scan3A_61  : i32 {
      %mul3A_106 = arith.constant 16 : i32
      %mul3A_107 = arith.muli %scan3A_105, %mul3A_106 : i32
      %add3A_108 = vector.broadcast %mul3A_107 : i32 to vector<16xi32>
      %add3A_109 = arith.addi %add3A_108, %iota3A : vector<16xi32>
      %broadcast_in_dim3A_110 = arith.constant 0.000000e+00 : f32
      %broadcast_in_dim3A_111 = vector.broadcast %broadcast_in_dim3A_110 : f32 to vector<16xf32>
      %scan3A_112 = arith.constant 0 : i32
      %scan3A_113 = arith.constant 8 : i32
      %scan3A_114 = arith.addi %scan3A_112, %scan3A_113 : i32
      %scan3A_115 = arith.constant 1 : i32
      %scan3A_116 = scf.for %scan3A_123 = %scan3A_112 to %scan3A_114 step %scan3A_115 iter_args(%scan3A_124 = %broadcast_in_dim3A_111) -> (vector<16xf32>)  : i32 {
        %mul3A_125 = arith.constant 8 : i32
        %mul3A_126 = arith.muli %scan3A_123, %mul3A_125 : i32
        %add3A_127 = arith.constant 0 : i32
        %add3A_128 = arith.addi %mul3A_126, %add3A_127 : i32
        %add3A_129 = vector.broadcast %add3A_128 : i32 to vector<16xi32>
        %add3A_130 = arith.addi %broadcast_in_dim3A_1, %add3A_129 : vector<16xi32>
        %gather3A = tpu.vector_load_idx %arg6[%add3A_109, %add3A_130] : memref<128x128xf32, #tpu.memory_space<vmem>>[vector<16xi32>, vector<16xi32>], vector<16xf32>,
        %gather3A_131 = tpu.vector_load_idx %arg8[%add3A_109, %add3A_130] : memref<128x128xf32, #tpu.memory_space<vmem>>[vector<16xi32>, vector<16xi32>], vector<16xf32>,
        %mul3A_132 = arith.mulf %gather3A, %gather3A_131 : vector<16xf32>
        %add3A_133 = arith.addf %scan3A_124, %mul3A_132 : vector<16xf32>
        %mul3A_134 = arith.constant 8 : i32
        %mul3A_135 = arith.muli %scan3A_123, %mul3A_134 : i32
        %add3A_136 = arith.constant 1 : i32
        %add3A_137 = arith.addi %mul3A_135, %add3A_136 : i32
        %add3A_138 = vector.broadcast %add3A_137 : i32 to vector<16xi32>
        %add3A_139 = arith.addi %broadcast_in_dim3A_1, %add3A_138 : vector<16xi32>
        %gather3A_140 = tpu.vector_load_idx %arg6[%add3A_109, %add3A_139] : memref<128x128xf32, #tpu.memory_space<vmem>>[vector<16xi32>, vector<16xi32>], vector<16xf32>,
        %gather3A_141 = tpu.vector_load_idx %arg8[%add3A_109, %add3A_139] : memref<128x128xf32, #tpu.memory_space<vmem>>[vector<16xi32>, vector<16xi32>], vector<16xf32>,
        %mul3A_142 = arith.mulf %gather3A_140, %gather3A_141 : vector<16xf32>
        %add3A_143 = arith.addf %add3A_133, %mul3A_142 : vector<16xf32>
        %mul3A_144 = arith.constant 8 : i32
        %mul3A_145 = arith.muli %scan3A_123, %mul3A_144 : i32
        %add3A_146 = arith.constant 2 : i32
        %add3A_147 = arith.addi %mul3A_145, %add3A_146 : i32
        %add3A_148 = vector.broadcast %add3A_147 : i32 to vector<16xi32>
        %add3A_149 = arith.addi %broadcast_in_dim3A_1, %add3A_148 : vector<16xi32>
        %gather3A_150 = tpu.vector_load_idx %arg6[%add3A_109, %add3A_149] : memref<128x128xf32, #tpu.memory_space<vmem>>[vector<16xi32>, vector<16xi32>], vector<16xf32>,
        %gather3A_151 = tpu.vector_load_idx %arg8[%add3A_109, %add3A_149] : memref<128x128xf32, #tpu.memory_space<vmem>>[vector<16xi32>, vector<16xi32>], vector<16xf32>,
        %mul3A_152 = arith.mulf %gather3A_150, %gather3A_151 : vector<16xf32>
        %add3A_153 = arith.addf %add3A_143, %mul3A_152 : vector<16xf32>
        %mul3A_154 = arith.constant 8 : i32
        %mul3A_155 = arith.muli %scan3A_123, %mul3A_154 : i32
        %add3A_156 = arith.constant 3 : i32
        %add3A_157 = arith.addi %mul3A_155, %add3A_156 : i32
        %add3A_158 = vector.broadcast %add3A_157 : i32 to vector<16xi32>
        %add3A_159 = arith.addi %broadcast_in_dim3A_1, %add3A_158 : vector<16xi32>
        %gather3A_160 = tpu.vector_load_idx %arg6[%add3A_109, %add3A_159] : memref<128x128xf32, #tpu.memory_space<vmem>>[vector<16xi32>, vector<16xi32>], vector<16xf32>,
        %gather3A_161 = tpu.vector_load_idx %arg8[%add3A_109, %add3A_159] : memref<128x128xf32, #tpu.memory_space<vmem>>[vector<16xi32>, vector<16xi32>], vector<16xf32>,
        %mul3A_162 = arith.mulf %gather3A_160, %gather3A_161 : vector<16xf32>
        %add3A_163 = arith.addf %add3A_153, %mul3A_162 : vector<16xf32>
        %mul3A_164 = arith.constant 8 : i32
        %mul3A_165 = arith.muli %scan3A_123, %mul3A_164 : i32
        %add3A_166 = arith.constant 4 : i32
        %add3A_167 = arith.addi %mul3A_165, %add3A_166 : i32
        %add3A_168 = vector.broadcast %add3A_167 : i32 to vector<16xi32>
        %add3A_169 = arith.addi %broadcast_in_dim3A_1, %add3A_168 : vector<16xi32>
        %gather3A_170 = tpu.vector_load_idx %arg6[%add3A_109, %add3A_169] : memref<128x128xf32, #tpu.memory_space<vmem>>[vector<16xi32>, vector<16xi32>], vector<16xf32>,
        %gather3A_171 = tpu.vector_load_idx %arg8[%add3A_109, %add3A_169] : memref<128x128xf32, #tpu.memory_space<vmem>>[vector<16xi32>, vector<16xi32>], vector<16xf32>,
        %mul3A_172 = arith.mulf %gather3A_170, %gather3A_171 : vector<16xf32>
        %add3A_173 = arith.addf %add3A_163, %mul3A_172 : vector<16xf32>
        %mul3A_174 = arith.constant 8 : i32
        %mul3A_175 = arith.muli %scan3A_123, %mul3A_174 : i32
        %add3A_176 = arith.constant 5 : i32
        %add3A_177 = arith.addi %mul3A_175, %add3A_176 : i32
        %add3A_178 = vector.broadcast %add3A_177 : i32 to vector<16xi32>
        %add3A_179 = arith.addi %broadcast_in_dim3A_1, %add3A_178 : vector<16xi32>
        %gather3A_180 = tpu.vector_load_idx %arg6[%add3A_109, %add3A_179] : memref<128x128xf32, #tpu.memory_space<vmem>>[vector<16xi32>, vector<16xi32>], vector<16xf32>,
        %gather3A_181 = tpu.vector_load_idx %arg8[%add3A_109, %add3A_179] : memref<128x128xf32, #tpu.memory_space<vmem>>[vector<16xi32>, vector<16xi32>], vector<16xf32>,
        %mul3A_182 = arith.mulf %gather3A_180, %gather3A_181 : vector<16xf32>
        %add3A_183 = arith.addf %add3A_173, %mul3A_182 : vector<16xf32>
        %mul3A_184 = arith.constant 8 : i32
        %mul3A_185 = arith.muli %scan3A_123, %mul3A_184 : i32
        %add3A_186 = arith.constant 6 : i32
        %add3A_187 = arith.addi %mul3A_185, %add3A_186 : i32
        %add3A_188 = vector.broadcast %add3A_187 : i32 to vector<16xi32>
        %add3A_189 = arith.addi %broadcast_in_dim3A_1, %add3A_188 : vector<16xi32>
        %gather3A_190 = tpu.vector_load_idx %arg6[%add3A_109, %add3A_189] : memref<128x128xf32, #tpu.memory_space<vmem>>[vector<16xi32>, vector<16xi32>], vector<16xf32>,
        %gather3A_191 = tpu.vector_load_idx %arg8[%add3A_109, %add3A_189] : memref<128x128xf32, #tpu.memory_space<vmem>>[vector<16xi32>, vector<16xi32>], vector<16xf32>,
        %mul3A_192 = arith.mulf %gather3A_190, %gather3A_191 : vector<16xf32>
        %add3A_193 = arith.addf %add3A_183, %mul3A_192 : vector<16xf32>
        %mul3A_194 = arith.constant 8 : i32
        %mul3A_195 = arith.muli %scan3A_123, %mul3A_194 : i32
        %add3A_196 = arith.constant 7 : i32
        %add3A_197 = arith.addi %mul3A_195, %add3A_196 : i32
        %add3A_198 = vector.broadcast %add3A_197 : i32 to vector<16xi32>
        %add3A_199 = arith.addi %broadcast_in_dim3A_1, %add3A_198 : vector<16xi32>
        %gather3A_200 = tpu.vector_load_idx %arg6[%add3A_109, %add3A_199] : memref<128x128xf32, #tpu.memory_space<vmem>>[vector<16xi32>, vector<16xi32>], vector<16xf32>,
        %gather3A_201 = tpu.vector_load_idx %arg8[%add3A_109, %add3A_199] : memref<128x128xf32, #tpu.memory_space<vmem>>[vector<16xi32>, vector<16xi32>], vector<16xf32>,
        %mul3A_202 = arith.mulf %gather3A_200, %gather3A_201 : vector<16xf32>
        %add3A_203 = arith.addf %add3A_193, %mul3A_202 : vector<16xf32>
        scf.yield %add3A_203 : vector<16xf32>
      }
      %scan3A_117 = arith.constant 8 : i32
      %mul3A_118 = arith.constant 16 : i32
      %mul3A_119 = arith.muli %scan3A_105, %mul3A_118 : i32
      %add3A_120 = arith.constant 128 : i32
      %add3A_121 = arith.addi %add3A_120, %mul3A_119 : i32
      %swap3A = arith.index_cast %add3A_121 : i32 to index
      %swap3A_122 = tpu.vector_load %arg9[%swap3A] {strides = array<i32>} : memref<512xf32, #tpu.memory_space<vmem>>, vector<16xf32>,
      tpu.vector_store %arg9[%swap3A], %scan3A_116 {strides = array<i32>} : memref<512xf32, #tpu.memory_space<vmem>>, vector<16xf32>,
    }
    %scan3A_62 = arith.constant 8 : i32
    %mul3A_63 = arith.constant 512 : i32
    %mul3A_64 = arith.muli %add3A, %mul3A_63 : i32
    %add3A_65 = arith.constant 384 : i32
    %add3A_66 = arith.addi %mul3A_64, %add3A_65 : i32
    %dma_start3A_67 = arith.constant 0 : i32
    %dma_start3A_68 = tpu.memref_slice %arg2[%add3A_66, %dma_start3A_67] : memref<16384x128xf32, #tpu.memory_space<hbm>> -> memref<128x128xf32, #tpu.memory_space<hbm>>
    %dma_start3A_69 = arith.constant 0 : i32
    %dma_start3A_70 = tpu.memref_slice %arg2[%add3A_66, %dma_start3A_69] : memref<16384x128xf32, #tpu.memory_space<hbm>> -> memref<128x128xf32, #tpu.memory_space<hbm>>
    tpu.enqueue_dma source(%dma_start3A_70 : memref<128x128xf32, #tpu.memory_space<hbm>>) target(%arg6 : memref<128x128xf32, #tpu.memory_space<vmem>>) target_semaphore(%arg11 : memref<!tpu.dma_semaphore, #tpu.memory_space<semaphore_mem>>)
    %dma_start3A_71 = arith.constant 0 : i32
    %dma_start3A_72 = tpu.memref_slice %arg3[%add3A_66, %dma_start3A_71] : memref<16384x128xf32, #tpu.memory_space<hbm>> -> memref<128x128xf32, #tpu.memory_space<hbm>>
    %dma_start3A_73 = arith.constant 0 : i32
    %dma_start3A_74 = tpu.memref_slice %arg3[%add3A_66, %dma_start3A_73] : memref<16384x128xf32, #tpu.memory_space<hbm>> -> memref<128x128xf32, #tpu.memory_space<hbm>>
    tpu.enqueue_dma source(%dma_start3A_74 : memref<128x128xf32, #tpu.memory_space<hbm>>) target(%arg8 : memref<128x128xf32, #tpu.memory_space<vmem>>) target_semaphore(%arg11 : memref<!tpu.dma_semaphore, #tpu.memory_space<semaphore_mem>>)
    %dma_wait3A_75 = arith.constant 0 : i32
    %dma_wait3A_76 = tpu.memref_slice %arg2[%add3A_40, %dma_wait3A_75] : memref<16384x128xf32, #tpu.memory_space<hbm>> -> memref<128x128xf32, #tpu.memory_space<hbm>>
    %dma_wait3A_77 = arith.constant 0 : i32
    %dma_wait3A_78 = tpu.memref_slice %arg2[%add3A_40, %dma_wait3A_77] : memref<16384x128xf32, #tpu.memory_space<hbm>> -> memref<128x128xf32, #tpu.memory_space<hbm>>
    tpu.wait_dma2 semaphore(%arg10 : memref<!tpu.dma_semaphore, #tpu.memory_space<semaphore_mem>>) src(%dma_wait3A_78 : memref<128x128xf32, #tpu.memory_space<hbm>>) dst(%arg5 : memref<128x128xf32, #tpu.memory_space<vmem>>)
    %dma_wait3A_79 = arith.constant 0 : i32
    %dma_wait3A_80 = tpu.memref_slice %arg3[%add3A_40, %dma_wait3A_79] : memref<16384x128xf32, #tpu.memory_space<hbm>> -> memref<128x128xf32, #tpu.memory_space<hbm>>
    %dma_wait3A_81 = arith.constant 0 : i32
    %dma_wait3A_82 = tpu.memref_slice %arg3[%add3A_40, %dma_wait3A_81] : memref<16384x128xf32, #tpu.memory_space<hbm>> -> memref<128x128xf32, #tpu.memory_space<hbm>>
    tpu.wait_dma2 semaphore(%arg10 : memref<!tpu.dma_semaphore, #tpu.memory_space<semaphore_mem>>) src(%dma_wait3A_82 : memref<128x128xf32, #tpu.memory_space<hbm>>) dst(%arg7 : memref<128x128xf32, #tpu.memory_space<vmem>>)
    %scan3A_83 = arith.constant 0 : i32
    %scan3A_84 = arith.constant 0 : i32
    %scan3A_85 = arith.constant 8 : i32
    %scan3A_86 = arith.addi %scan3A_84, %scan3A_85 : i32
    %scan3A_87 = arith.constant 1 : i32
    scf.for %scan3A_105 = %scan3A_84 to %scan3A_86 step %scan3A_87  : i32 {
      %mul3A_106 = arith.constant 16 : i32
      %mul3A_107 = arith.muli %scan3A_105, %mul3A_106 : i32
      %add3A_108 = vector.broadcast %mul3A_107 : i32 to vector<16xi32>
      %add3A_109 = arith.addi %add3A_108, %iota3A : vector<16xi32>
      %broadcast_in_dim3A_110 = arith.constant 0.000000e+00 : f32
      %broadcast_in_dim3A_111 = vector.broadcast %broadcast_in_dim3A_110 : f32 to vector<16xf32>
      %scan3A_112 = arith.constant 0 : i32
      %scan3A_113 = arith.constant 8 : i32
      %scan3A_114 = arith.addi %scan3A_112, %scan3A_113 : i32
      %scan3A_115 = arith.constant 1 : i32
      %scan3A_116 = scf.for %scan3A_123 = %scan3A_112 to %scan3A_114 step %scan3A_115 iter_args(%scan3A_124 = %broadcast_in_dim3A_111) -> (vector<16xf32>)  : i32 {
        %mul3A_125 = arith.constant 8 : i32
        %mul3A_126 = arith.muli %scan3A_123, %mul3A_125 : i32
        %add3A_127 = arith.constant 0 : i32
        %add3A_128 = arith.addi %mul3A_126, %add3A_127 : i32
        %add3A_129 = vector.broadcast %add3A_128 : i32 to vector<16xi32>
        %add3A_130 = arith.addi %broadcast_in_dim3A_1, %add3A_129 : vector<16xi32>
        %gather3A = tpu.vector_load_idx %arg5[%add3A_109, %add3A_130] : memref<128x128xf32, #tpu.memory_space<vmem>>[vector<16xi32>, vector<16xi32>], vector<16xf32>,
        %gather3A_131 = tpu.vector_load_idx %arg7[%add3A_109, %add3A_130] : memref<128x128xf32, #tpu.memory_space<vmem>>[vector<16xi32>, vector<16xi32>], vector<16xf32>,
        %mul3A_132 = arith.mulf %gather3A, %gather3A_131 : vector<16xf32>
        %add3A_133 = arith.addf %scan3A_124, %mul3A_132 : vector<16xf32>
        %mul3A_134 = arith.constant 8 : i32
        %mul3A_135 = arith.muli %scan3A_123, %mul3A_134 : i32
        %add3A_136 = arith.constant 1 : i32
        %add3A_137 = arith.addi %mul3A_135, %add3A_136 : i32
        %add3A_138 = vector.broadcast %add3A_137 : i32 to vector<16xi32>
        %add3A_139 = arith.addi %broadcast_in_dim3A_1, %add3A_138 : vector<16xi32>
        %gather3A_140 = tpu.vector_load_idx %arg5[%add3A_109, %add3A_139] : memref<128x128xf32, #tpu.memory_space<vmem>>[vector<16xi32>, vector<16xi32>], vector<16xf32>,
        %gather3A_141 = tpu.vector_load_idx %arg7[%add3A_109, %add3A_139] : memref<128x128xf32, #tpu.memory_space<vmem>>[vector<16xi32>, vector<16xi32>], vector<16xf32>,
        %mul3A_142 = arith.mulf %gather3A_140, %gather3A_141 : vector<16xf32>
        %add3A_143 = arith.addf %add3A_133, %mul3A_142 : vector<16xf32>
        %mul3A_144 = arith.constant 8 : i32
        %mul3A_145 = arith.muli %scan3A_123, %mul3A_144 : i32
        %add3A_146 = arith.constant 2 : i32
        %add3A_147 = arith.addi %mul3A_145, %add3A_146 : i32
        %add3A_148 = vector.broadcast %add3A_147 : i32 to vector<16xi32>
        %add3A_149 = arith.addi %broadcast_in_dim3A_1, %add3A_148 : vector<16xi32>
        %gather3A_150 = tpu.vector_load_idx %arg5[%add3A_109, %add3A_149] : memref<128x128xf32, #tpu.memory_space<vmem>>[vector<16xi32>, vector<16xi32>], vector<16xf32>,
        %gather3A_151 = tpu.vector_load_idx %arg7[%add3A_109, %add3A_149] : memref<128x128xf32, #tpu.memory_space<vmem>>[vector<16xi32>, vector<16xi32>], vector<16xf32>,
        %mul3A_152 = arith.mulf %gather3A_150, %gather3A_151 : vector<16xf32>
        %add3A_153 = arith.addf %add3A_143, %mul3A_152 : vector<16xf32>
        %mul3A_154 = arith.constant 8 : i32
        %mul3A_155 = arith.muli %scan3A_123, %mul3A_154 : i32
        %add3A_156 = arith.constant 3 : i32
        %add3A_157 = arith.addi %mul3A_155, %add3A_156 : i32
        %add3A_158 = vector.broadcast %add3A_157 : i32 to vector<16xi32>
        %add3A_159 = arith.addi %broadcast_in_dim3A_1, %add3A_158 : vector<16xi32>
        %gather3A_160 = tpu.vector_load_idx %arg5[%add3A_109, %add3A_159] : memref<128x128xf32, #tpu.memory_space<vmem>>[vector<16xi32>, vector<16xi32>], vector<16xf32>,
        %gather3A_161 = tpu.vector_load_idx %arg7[%add3A_109, %add3A_159] : memref<128x128xf32, #tpu.memory_space<vmem>>[vector<16xi32>, vector<16xi32>], vector<16xf32>,
        %mul3A_162 = arith.mulf %gather3A_160, %gather3A_161 : vector<16xf32>
        %add3A_163 = arith.addf %add3A_153, %mul3A_162 : vector<16xf32>
        %mul3A_164 = arith.constant 8 : i32
        %mul3A_165 = arith.muli %scan3A_123, %mul3A_164 : i32
        %add3A_166 = arith.constant 4 : i32
        %add3A_167 = arith.addi %mul3A_165, %add3A_166 : i32
        %add3A_168 = vector.broadcast %add3A_167 : i32 to vector<16xi32>
        %add3A_169 = arith.addi %broadcast_in_dim3A_1, %add3A_168 : vector<16xi32>
        %gather3A_170 = tpu.vector_load_idx %arg5[%add3A_109, %add3A_169] : memref<128x128xf32, #tpu.memory_space<vmem>>[vector<16xi32>, vector<16xi32>], vector<16xf32>,
        %gather3A_171 = tpu.vector_load_idx %arg7[%add3A_109, %add3A_169] : memref<128x128xf32, #tpu.memory_space<vmem>>[vector<16xi32>, vector<16xi32>], vector<16xf32>,
        %mul3A_172 = arith.mulf %gather3A_170, %gather3A_171 : vector<16xf32>
        %add3A_173 = arith.addf %add3A_163, %mul3A_172 : vector<16xf32>
        %mul3A_174 = arith.constant 8 : i32
        %mul3A_175 = arith.muli %scan3A_123, %mul3A_174 : i32
        %add3A_176 = arith.constant 5 : i32
        %add3A_177 = arith.addi %mul3A_175, %add3A_176 : i32
        %add3A_178 = vector.broadcast %add3A_177 : i32 to vector<16xi32>
        %add3A_179 = arith.addi %broadcast_in_dim3A_1, %add3A_178 : vector<16xi32>
        %gather3A_180 = tpu.vector_load_idx %arg5[%add3A_109, %add3A_179] : memref<128x128xf32, #tpu.memory_space<vmem>>[vector<16xi32>, vector<16xi32>], vector<16xf32>,
        %gather3A_181 = tpu.vector_load_idx %arg7[%add3A_109, %add3A_179] : memref<128x128xf32, #tpu.memory_space<vmem>>[vector<16xi32>, vector<16xi32>], vector<16xf32>,
        %mul3A_182 = arith.mulf %gather3A_180, %gather3A_181 : vector<16xf32>
        %add3A_183 = arith.addf %add3A_173, %mul3A_182 : vector<16xf32>
        %mul3A_184 = arith.constant 8 : i32
        %mul3A_185 = arith.muli %scan3A_123, %mul3A_184 : i32
        %add3A_186 = arith.constant 6 : i32
        %add3A_187 = arith.addi %mul3A_185, %add3A_186 : i32
        %add3A_188 = vector.broadcast %add3A_187 : i32 to vector<16xi32>
        %add3A_189 = arith.addi %broadcast_in_dim3A_1, %add3A_188 : vector<16xi32>
        %gather3A_190 = tpu.vector_load_idx %arg5[%add3A_109, %add3A_189] : memref<128x128xf32, #tpu.memory_space<vmem>>[vector<16xi32>, vector<16xi32>], vector<16xf32>,
        %gather3A_191 = tpu.vector_load_idx %arg7[%add3A_109, %add3A_189] : memref<128x128xf32, #tpu.memory_space<vmem>>[vector<16xi32>, vector<16xi32>], vector<16xf32>,
        %mul3A_192 = arith.mulf %gather3A_190, %gather3A_191 : vector<16xf32>
        %add3A_193 = arith.addf %add3A_183, %mul3A_192 : vector<16xf32>
        %mul3A_194 = arith.constant 8 : i32
        %mul3A_195 = arith.muli %scan3A_123, %mul3A_194 : i32
        %add3A_196 = arith.constant 7 : i32
        %add3A_197 = arith.addi %mul3A_195, %add3A_196 : i32
        %add3A_198 = vector.broadcast %add3A_197 : i32 to vector<16xi32>
        %add3A_199 = arith.addi %broadcast_in_dim3A_1, %add3A_198 : vector<16xi32>
        %gather3A_200 = tpu.vector_load_idx %arg5[%add3A_109, %add3A_199] : memref<128x128xf32, #tpu.memory_space<vmem>>[vector<16xi32>, vector<16xi32>], vector<16xf32>,
        %gather3A_201 = tpu.vector_load_idx %arg7[%add3A_109, %add3A_199] : memref<128x128xf32, #tpu.memory_space<vmem>>[vector<16xi32>, vector<16xi32>], vector<16xf32>,
        %mul3A_202 = arith.mulf %gather3A_200, %gather3A_201 : vector<16xf32>
        %add3A_203 = arith.addf %add3A_193, %mul3A_202 : vector<16xf32>
        scf.yield %add3A_203 : vector<16xf32>
      }
      %scan3A_117 = arith.constant 8 : i32
      %mul3A_118 = arith.constant 16 : i32
      %mul3A_119 = arith.muli %scan3A_105, %mul3A_118 : i32
      %add3A_120 = arith.constant 256 : i32
      %add3A_121 = arith.addi %add3A_120, %mul3A_119 : i32
      %swap3A = arith.index_cast %add3A_121 : i32 to index
      %swap3A_122 = tpu.vector_load %arg9[%swap3A] {strides = array<i32>} : memref<512xf32, #tpu.memory_space<vmem>>, vector<16xf32>,
      tpu.vector_store %arg9[%swap3A], %scan3A_116 {strides = array<i32>} : memref<512xf32, #tpu.memory_space<vmem>>, vector<16xf32>,
    }
    %scan3A_88 = arith.constant 8 : i32
    %dma_wait3A_89 = arith.constant 0 : i32
    %dma_wait3A_90 = tpu.memref_slice %arg2[%add3A_66, %dma_wait3A_89] : memref<16384x128xf32, #tpu.memory_space<hbm>> -> memref<128x128xf32, #tpu.memory_space<hbm>>
    %dma_wait3A_91 = arith.constant 0 : i32
    %dma_wait3A_92 = tpu.memref_slice %arg2[%add3A_66, %dma_wait3A_91] : memref<16384x128xf32, #tpu.memory_space<hbm>> -> memref<128x128xf32, #tpu.memory_space<hbm>>
    tpu.wait_dma2 semaphore(%arg11 : memref<!tpu.dma_semaphore, #tpu.memory_space<semaphore_mem>>) src(%dma_wait3A_92 : memref<128x128xf32, #tpu.memory_space<hbm>>) dst(%arg6 : memref<128x128xf32, #tpu.memory_space<vmem>>)
    %dma_wait3A_93 = arith.constant 0 : i32
    %dma_wait3A_94 = tpu.memref_slice %arg3[%add3A_66, %dma_wait3A_93] : memref<16384x128xf32, #tpu.memory_space<hbm>> -> memref<128x128xf32, #tpu.memory_space<hbm>>
    %dma_wait3A_95 = arith.constant 0 : i32
    %dma_wait3A_96 = tpu.memref_slice %arg3[%add3A_66, %dma_wait3A_95] : memref<16384x128xf32, #tpu.memory_space<hbm>> -> memref<128x128xf32, #tpu.memory_space<hbm>>
    tpu.wait_dma2 semaphore(%arg11 : memref<!tpu.dma_semaphore, #tpu.memory_space<semaphore_mem>>) src(%dma_wait3A_96 : memref<128x128xf32, #tpu.memory_space<hbm>>) dst(%arg8 : memref<128x128xf32, #tpu.memory_space<vmem>>)
    %scan3A_97 = arith.constant 0 : i32
    %scan3A_98 = arith.constant 0 : i32
    %scan3A_99 = arith.constant 8 : i32
    %scan3A_100 = arith.addi %scan3A_98, %scan3A_99 : i32
    %scan3A_101 = arith.constant 1 : i32
    scf.for %scan3A_105 = %scan3A_98 to %scan3A_100 step %scan3A_101  : i32 {
      %mul3A_106 = arith.constant 16 : i32
      %mul3A_107 = arith.muli %scan3A_105, %mul3A_106 : i32
      %add3A_108 = vector.broadcast %mul3A_107 : i32 to vector<16xi32>
      %add3A_109 = arith.addi %add3A_108, %iota3A : vector<16xi32>
      %broadcast_in_dim3A_110 = arith.constant 0.000000e+00 : f32
      %broadcast_in_dim3A_111 = vector.broadcast %broadcast_in_dim3A_110 : f32 to vector<16xf32>
      %scan3A_112 = arith.constant 0 : i32
      %scan3A_113 = arith.constant 8 : i32
      %scan3A_114 = arith.addi %scan3A_112, %scan3A_113 : i32
      %scan3A_115 = arith.constant 1 : i32
      %scan3A_116 = scf.for %scan3A_123 = %scan3A_112 to %scan3A_114 step %scan3A_115 iter_args(%scan3A_124 = %broadcast_in_dim3A_111) -> (vector<16xf32>)  : i32 {
        %mul3A_125 = arith.constant 8 : i32
        %mul3A_126 = arith.muli %scan3A_123, %mul3A_125 : i32
        %add3A_127 = arith.constant 0 : i32
        %add3A_128 = arith.addi %mul3A_126, %add3A_127 : i32
        %add3A_129 = vector.broadcast %add3A_128 : i32 to vector<16xi32>
        %add3A_130 = arith.addi %broadcast_in_dim3A_1, %add3A_129 : vector<16xi32>
        %gather3A = tpu.vector_load_idx %arg6[%add3A_109, %add3A_130] : memref<128x128xf32, #tpu.memory_space<vmem>>[vector<16xi32>, vector<16xi32>], vector<16xf32>,
        %gather3A_131 = tpu.vector_load_idx %arg8[%add3A_109, %add3A_130] : memref<128x128xf32, #tpu.memory_space<vmem>>[vector<16xi32>, vector<16xi32>], vector<16xf32>,
        %mul3A_132 = arith.mulf %gather3A, %gather3A_131 : vector<16xf32>
        %add3A_133 = arith.addf %scan3A_124, %mul3A_132 : vector<16xf32>
        %mul3A_134 = arith.constant 8 : i32
        %mul3A_135 = arith.muli %scan3A_123, %mul3A_134 : i32
        %add3A_136 = arith.constant 1 : i32
        %add3A_137 = arith.addi %mul3A_135, %add3A_136 : i32
        %add3A_138 = vector.broadcast %add3A_137 : i32 to vector<16xi32>
        %add3A_139 = arith.addi %broadcast_in_dim3A_1, %add3A_138 : vector<16xi32>
        %gather3A_140 = tpu.vector_load_idx %arg6[%add3A_109, %add3A_139] : memref<128x128xf32, #tpu.memory_space<vmem>>[vector<16xi32>, vector<16xi32>], vector<16xf32>,
        %gather3A_141 = tpu.vector_load_idx %arg8[%add3A_109, %add3A_139] : memref<128x128xf32, #tpu.memory_space<vmem>>[vector<16xi32>, vector<16xi32>], vector<16xf32>,
        %mul3A_142 = arith.mulf %gather3A_140, %gather3A_141 : vector<16xf32>
        %add3A_143 = arith.addf %add3A_133, %mul3A_142 : vector<16xf32>
        %mul3A_144 = arith.constant 8 : i32
        %mul3A_145 = arith.muli %scan3A_123, %mul3A_144 : i32
        %add3A_146 = arith.constant 2 : i32
        %add3A_147 = arith.addi %mul3A_145, %add3A_146 : i32
        %add3A_148 = vector.broadcast %add3A_147 : i32 to vector<16xi32>
        %add3A_149 = arith.addi %broadcast_in_dim3A_1, %add3A_148 : vector<16xi32>
        %gather3A_150 = tpu.vector_load_idx %arg6[%add3A_109, %add3A_149] : memref<128x128xf32, #tpu.memory_space<vmem>>[vector<16xi32>, vector<16xi32>], vector<16xf32>,
        %gather3A_151 = tpu.vector_load_idx %arg8[%add3A_109, %add3A_149] : memref<128x128xf32, #tpu.memory_space<vmem>>[vector<16xi32>, vector<16xi32>], vector<16xf32>,
        %mul3A_152 = arith.mulf %gather3A_150, %gather3A_151 : vector<16xf32>
        %add3A_153 = arith.addf %add3A_143, %mul3A_152 : vector<16xf32>
        %mul3A_154 = arith.constant 8 : i32
        %mul3A_155 = arith.muli %scan3A_123, %mul3A_154 : i32
        %add3A_156 = arith.constant 3 : i32
        %add3A_157 = arith.addi %mul3A_155, %add3A_156 : i32
        %add3A_158 = vector.broadcast %add3A_157 : i32 to vector<16xi32>
        %add3A_159 = arith.addi %broadcast_in_dim3A_1, %add3A_158 : vector<16xi32>
        %gather3A_160 = tpu.vector_load_idx %arg6[%add3A_109, %add3A_159] : memref<128x128xf32, #tpu.memory_space<vmem>>[vector<16xi32>, vector<16xi32>], vector<16xf32>,
        %gather3A_161 = tpu.vector_load_idx %arg8[%add3A_109, %add3A_159] : memref<128x128xf32, #tpu.memory_space<vmem>>[vector<16xi32>, vector<16xi32>], vector<16xf32>,
        %mul3A_162 = arith.mulf %gather3A_160, %gather3A_161 : vector<16xf32>
        %add3A_163 = arith.addf %add3A_153, %mul3A_162 : vector<16xf32>
        %mul3A_164 = arith.constant 8 : i32
        %mul3A_165 = arith.muli %scan3A_123, %mul3A_164 : i32
        %add3A_166 = arith.constant 4 : i32
        %add3A_167 = arith.addi %mul3A_165, %add3A_166 : i32
        %add3A_168 = vector.broadcast %add3A_167 : i32 to vector<16xi32>
        %add3A_169 = arith.addi %broadcast_in_dim3A_1, %add3A_168 : vector<16xi32>
        %gather3A_170 = tpu.vector_load_idx %arg6[%add3A_109, %add3A_169] : memref<128x128xf32, #tpu.memory_space<vmem>>[vector<16xi32>, vector<16xi32>], vector<16xf32>,
        %gather3A_171 = tpu.vector_load_idx %arg8[%add3A_109, %add3A_169] : memref<128x128xf32, #tpu.memory_space<vmem>>[vector<16xi32>, vector<16xi32>], vector<16xf32>,
        %mul3A_172 = arith.mulf %gather3A_170, %gather3A_171 : vector<16xf32>
        %add3A_173 = arith.addf %add3A_163, %mul3A_172 : vector<16xf32>
        %mul3A_174 = arith.constant 8 : i32
        %mul3A_175 = arith.muli %scan3A_123, %mul3A_174 : i32
        %add3A_176 = arith.constant 5 : i32
        %add3A_177 = arith.addi %mul3A_175, %add3A_176 : i32
        %add3A_178 = vector.broadcast %add3A_177 : i32 to vector<16xi32>
        %add3A_179 = arith.addi %broadcast_in_dim3A_1, %add3A_178 : vector<16xi32>
        %gather3A_180 = tpu.vector_load_idx %arg6[%add3A_109, %add3A_179] : memref<128x128xf32, #tpu.memory_space<vmem>>[vector<16xi32>, vector<16xi32>], vector<16xf32>,
        %gather3A_181 = tpu.vector_load_idx %arg8[%add3A_109, %add3A_179] : memref<128x128xf32, #tpu.memory_space<vmem>>[vector<16xi32>, vector<16xi32>], vector<16xf32>,
        %mul3A_182 = arith.mulf %gather3A_180, %gather3A_181 : vector<16xf32>
        %add3A_183 = arith.addf %add3A_173, %mul3A_182 : vector<16xf32>
        %mul3A_184 = arith.constant 8 : i32
        %mul3A_185 = arith.muli %scan3A_123, %mul3A_184 : i32
        %add3A_186 = arith.constant 6 : i32
        %add3A_187 = arith.addi %mul3A_185, %add3A_186 : i32
        %add3A_188 = vector.broadcast %add3A_187 : i32 to vector<16xi32>
        %add3A_189 = arith.addi %broadcast_in_dim3A_1, %add3A_188 : vector<16xi32>
        %gather3A_190 = tpu.vector_load_idx %arg6[%add3A_109, %add3A_189] : memref<128x128xf32, #tpu.memory_space<vmem>>[vector<16xi32>, vector<16xi32>], vector<16xf32>,
        %gather3A_191 = tpu.vector_load_idx %arg8[%add3A_109, %add3A_189] : memref<128x128xf32, #tpu.memory_space<vmem>>[vector<16xi32>, vector<16xi32>], vector<16xf32>,
        %mul3A_192 = arith.mulf %gather3A_190, %gather3A_191 : vector<16xf32>
        %add3A_193 = arith.addf %add3A_183, %mul3A_192 : vector<16xf32>
        %mul3A_194 = arith.constant 8 : i32
        %mul3A_195 = arith.muli %scan3A_123, %mul3A_194 : i32
        %add3A_196 = arith.constant 7 : i32
        %add3A_197 = arith.addi %mul3A_195, %add3A_196 : i32
        %add3A_198 = vector.broadcast %add3A_197 : i32 to vector<16xi32>
        %add3A_199 = arith.addi %broadcast_in_dim3A_1, %add3A_198 : vector<16xi32>
        %gather3A_200 = tpu.vector_load_idx %arg6[%add3A_109, %add3A_199] : memref<128x128xf32, #tpu.memory_space<vmem>>[vector<16xi32>, vector<16xi32>], vector<16xf32>,
        %gather3A_201 = tpu.vector_load_idx %arg8[%add3A_109, %add3A_199] : memref<128x128xf32, #tpu.memory_space<vmem>>[vector<16xi32>, vector<16xi32>], vector<16xf32>,
        %mul3A_202 = arith.mulf %gather3A_200, %gather3A_201 : vector<16xf32>
        %add3A_203 = arith.addf %add3A_193, %mul3A_202 : vector<16xf32>
        scf.yield %add3A_203 : vector<16xf32>
      }
      %scan3A_117 = arith.constant 8 : i32
      %mul3A_118 = arith.constant 16 : i32
      %mul3A_119 = arith.muli %scan3A_105, %mul3A_118 : i32
      %add3A_120 = arith.constant 384 : i32
      %add3A_121 = arith.addi %add3A_120, %mul3A_119 : i32
      %swap3A = arith.index_cast %add3A_121 : i32 to index
      %swap3A_122 = tpu.vector_load %arg9[%swap3A] {strides = array<i32>} : memref<512xf32, #tpu.memory_space<vmem>>, vector<16xf32>,
      tpu.vector_store %arg9[%swap3A], %scan3A_116 {strides = array<i32>} : memref<512xf32, #tpu.memory_space<vmem>>, vector<16xf32>,
    }
    %scan3A_102 = arith.constant 8 : i32
    %mul3A_103 = arith.constant 512 : i32
    %mul3A_104 = arith.muli %add3A, %mul3A_103 : i32
    "tpu.region"() ({
      %run_scoped3A = tpu.sem_alloc : memref<!tpu.dma_semaphore, #tpu.memory_space<semaphore_mem>>
      %dma_start3A_105 = tpu.memref_slice %arg4[%mul3A_104] : memref<16384xf32, #tpu.memory_space<hbm>> -> memref<512xf32, #tpu.memory_space<hbm>>
      %dma_start3A_106 = tpu.memref_slice %arg4[%mul3A_104] : memref<16384xf32, #tpu.memory_space<hbm>> -> memref<512xf32, #tpu.memory_space<hbm>>
      tpu.enqueue_dma source(%arg9 : memref<512xf32, #tpu.memory_space<vmem>>) target(%dma_start3A_106 : memref<512xf32, #tpu.memory_space<hbm>>) target_semaphore(%run_scoped3A : memref<!tpu.dma_semaphore, #tpu.memory_space<semaphore_mem>>)
      %dma_wait3A_107 = tpu.memref_slice %arg4[%mul3A_104] : memref<16384xf32, #tpu.memory_space<hbm>> -> memref<512xf32, #tpu.memory_space<hbm>>
      %dma_wait3A_108 = tpu.memref_slice %arg4[%mul3A_104] : memref<16384xf32, #tpu.memory_space<hbm>> -> memref<512xf32, #tpu.memory_space<hbm>>
      tpu.wait_dma2 semaphore(%run_scoped3A : memref<!tpu.dma_semaphore, #tpu.memory_space<semaphore_mem>>) src(%arg9 : memref<512xf32, #tpu.memory_space<vmem>>) dst(%dma_wait3A_108 : memref<512xf32, #tpu.memory_space<hbm>>)
      tpu.yield
    }) : () -> ()
    return
  }
}

</mosaic_0001>

<sc_bundles>
// kernel: _run.11.cloned.1.call-start
scs
__scs_entry_jumppad:
0x0: {  	(pc) =	sbr.rel $0x88, $3  }
0x1: {  	(tag) =	ssettag $0x0;
	lr =	simm.s32 $0x1  }
0x2: {  	[smem:$0x3F9D] =	sst lr;
	_ =	strace $0xD0000000  }
0x3: {  	_ = 	snop  }
0x4: {  	_ = 	snop  }
0x5: {  	_ = 	snop  }
0x6: {  	_ = 	snop  }
0x7: {  	_ = 	snop  }
__scs_overlays_trampoline_lowered:
0x8: {  	[smem:$0x3FAC] =	sst s0  }
0x9: {  	[smem:$0x3FAD] =	sst s1  }
0xa: {  	[smem:$0x3FAE] =	sst s2  }
0xb: {  	[smem:$0x3FAF] =	sst s3  }
0xc: {  	[smem:$0x3FB0] =	sst s4  }
0xd: {  	[smem:$0x3FB1] =	sst s5  }
0xe: {  	[smem:$0x3FB2] =	sst s6  }
0xf: {  	[smem:$0x3FB3] =	sst s7  }
0x10: {  	[smem:$0x3FB4] =	sst s8  }
0x11: {  	[smem:$0x3FB5] =	sst s9;
	s0 =	simm.s32 @!p0 $0x0  }
0x12: {  	s1 =	sld [smem:$0x3F9B];
	s0 =	simm.s32 @p0 $0x1  }
0x13: {  	[smem:$0x3FB6] =	sst s0;
	s0 =	simm.s32 @!p1 $0x0  }
0x14: {  	s2 =	sld [smem:$0x3F9A];
	s0 =	simm.s32 @p1 $0x1  }
0x15: {  	[smem:$0x3FB7] =	sst s0;
	s0 =	simm.s32 @!p2 $0x0  }
0x16: {  	s3 =	sld [smem:$0x3FDB];
	s0 =	simm.s32 @p2 $0x1  }
0x17: {  	s4 =	simm.s32 $0x1BF5;
	[smem:$0x3FB9] =	sst s0  }
0x18: {  	s0 =	sld [smem:$0x3F9C];
	_ =	swait.ge [sflag:s4], $0x0  }
0x19: {  	s7 =	sld [smem:$0x3F9D]  }
0x1a: {  	s8 =	sadd.s32 $0xFFFFE003, lr  }
0x1b: {  	s9 =	sadd.s32 $0xFFFFFEF7, lr;
	s5 =	simm.s32 $0xFFFFFFFF;
	p2 =	slt.u32 s8, $0xFFFFF086  }
0x1c: {  	p1 =	slt.u32 s9, $0xF7A;
	s5 =	simm.s32 @!p2 $0x0  }
0x1d: {  	s5 =	simm.s32 @p1 $0x1;
	p0 =	seq.s32 s7, s2  }
0x1e: {  	s7 =	smul.u32 @!p0 $0xF7A, s2;
	p2 =	seq.s32 @!p0 s5, $0x0  }
0x1f: {  	s9 =	smul.u32 $0xF7A, s1;
	s8 =	simm.s32 @!p0 $0x1BF5;
	p2 =	por !p2, p0  }
0x20: {  	[sflag:s8] =	ssyncset.s32 @!p0 $0xFFFFF086;
	s6 =	sadd.s32 @!p0 s3, s7;
	s7 =	simm.s32 @!p0 $0x108  }
0x21: {  	s3 =	sadd.s32 s3, s9;
	s6 =	sadd.s32 @!p0 $0x88, s6;
	s7 =	simm.s32 @p2 $0x1082  }
0x22: {  	[simem:s7], [sflag:s8] =	dma.local @!p0 [hbm:s6], $0xF7A  }
0x23: {  	s9 =	sor.u32 $0xD0000000, s2;
	s6 =	simm.s32 $0x108;
	_ =	swait.ge @!p0 [sflag:s8], $0x0  }
0x24: {  	s3 =	sadd.s32 $0x88, s3;
	s6 =	simm.s32 @!p1 $0x1082;
	[sflag:s4] =	ssyncset.s32 $0xFFFFF086  }
0x25: {  	[simem:s6], [sflag:s4] =	dma.local [hbm:s3], $0xF7A  }
0x26: {  	[smem:$0x3F9D] =	sst s1;
	(tag) =	ssettag s2;
	_ =	strace s9  }
0x27: {  	s1 =	sld [smem:$0x3FAD]  }
0x28: {  	s2 =	sld [smem:$0x3FAE]  }
0x29: {  	s4 =	sld [smem:$0x3FB0]  }
0x2a: {  	p0 =	seq.s32 s5, $0x0;
	s5 =	sld [smem:$0x3FB1]  }
0x2b: {  	s6 =	sld [smem:$0x3FB2]  }
0x2c: {  	s7 =	sld [smem:$0x3FB3]  }
0x2d: {  	s3 =	simm.s32 $0x108;
	s8 =	sld [smem:$0x3FB4]  }
0x2e: {  	s3 =	simm.s32 @!p0 $0x1082;
	s9 =	sld [smem:$0x3FB5]  }
0x2f: {  	lr =	sadd.s32 s0, s3;
	s0 =	sld [smem:$0x3FAC]  }
0x30: {  	s3 =	sld [smem:$0x3FAF]  }
0x31: {  	[smem:$0x3FB8] =	sst s10  }
0x32: {  	s10 =	sld [smem:$0x3FB6];
	_ =	sdelay $0x3  }
0x33: {  	p0 =	seq.s32 s10, $0x1;
	s10 =	sld [smem:$0x3FB8];
	_ =	sdelay $0x3  }
0x34: {  	[smem:$0x3FB8] =	sst s10  }
0x35: {  	s10 =	sld [smem:$0x3FB7];
	_ =	sdelay $0x3  }
0x36: {  	p1 =	seq.s32 s10, $0x1;
	s10 =	sld [smem:$0x3FB8];
	_ =	sdelay $0x3  }
0x37: {  	[smem:$0x3FB8] =	sst s10  }
0x38: {  	s10 =	sld [smem:$0x3FB9]  }
0x39: {  	_ = 	snop;
	(pc) =	sbr.ind lr, $3  }
0x3a: {  	_ = 	snop  }
0x3b: {  	_ = 	snop  }
0x3c: {  	p2 =	seq.s32 s10, $0x1;
	s10 =	sld [smem:$0x3FB8]  }
0x3d: {  	_ =	shalt  }
0x3e: {  	_ =	shalt  }
0x3f: {  	_ =	shalt  }
0x40: {  	_ =	shalt  }
0x41: {  	_ =	shalt  }
0x42: {  	_ =	shalt  }
0x43: {  	_ =	shalt  }
0x44: {  	_ =	shalt  }
0x45: {  	_ =	shalt  }
0x46: {  	_ =	shalt  }
0x47: {  	_ =	shalt  }
0x48: {  	_ =	shalt  }
0x49: {  	_ =	shalt  }
0x4a: {  	_ =	shalt  }
0x4b: {  	_ =	shalt  }
0x4c: {  	_ =	shalt  }
0x4d: {  	_ =	shalt  }
0x4e: {  	_ =	shalt  }
0x4f: {  	_ =	shalt  }
0x50: {  	_ =	shalt  }
0x51: {  	_ =	shalt  }
0x52: {  	_ =	shalt  }
0x53: {  	_ =	shalt  }
0x54: {  	_ =	shalt  }
0x55: {  	_ =	shalt  }
0x56: {  	_ =	shalt  }
0x57: {  	_ =	shalt  }
0x58: {  	_ =	shalt  }
0x59: {  	_ =	shalt  }
0x5a: {  	_ =	shalt  }
0x5b: {  	_ =	shalt  }
0x5c: {  	_ =	shalt  }
0x5d: {  	_ =	shalt  }
0x5e: {  	_ =	shalt  }
0x5f: {  	_ =	shalt  }
0x60: {  	_ =	shalt  }
0x61: {  	_ =	shalt  }
0x62: {  	_ =	shalt  }
0x63: {  	_ =	shalt  }
0x64: {  	_ =	shalt  }
0x65: {  	_ =	shalt  }
0x66: {  	_ =	shalt  }
0x67: {  	_ =	shalt  }
0x68: {  	_ =	shalt  }
0x69: {  	_ =	shalt  }
0x6a: {  	_ =	shalt  }
0x6b: {  	_ =	shalt  }
0x6c: {  	_ =	shalt  }
0x6d: {  	_ =	shalt  }
0x6e: {  	_ =	shalt  }
0x6f: {  	_ =	shalt  }
0x70: {  	_ =	shalt  }
0x71: {  	_ =	shalt  }
0x72: {  	_ =	shalt  }
0x73: {  	_ =	shalt  }
0x74: {  	_ =	shalt  }
0x75: {  	_ =	shalt  }
0x76: {  	_ =	shalt  }
0x77: {  	_ =	shalt  }
0x78: {  	_ =	shalt  }
0x79: {  	_ =	shalt  }
0x7a: {  	_ =	shalt  }
0x7b: {  	_ =	shalt  }
0x7c: {  	_ =	shalt  }
0x7d: {  	_ =	shalt  }
0x7e: {  	_ =	shalt  }
0x7f: {  	_ =	shalt  }
0x80: {  	_ =	shalt  }
0x81: {  	_ =	shalt  }
0x82: {  	_ =	shalt  }
0x83: {  	_ =	shalt  }
0x84: {  	_ =	shalt  }
0x85: {  	_ =	shalt  }
0x86: {  	_ =	shalt  }
0x87: {  	_ =	shalt  }
.Lfunc_end0:
.L_simem_size_0:
called_computation.2_lowered:
.L_overlay_start_0:
0x88: {  	s2 =	sld [smem:$0x3FD9]  }
0x89: {  	s3 =	sld [smem:$0x3FFE];
	_ =	sdelay $0x1  }
0x8a: {  	s1 =	srdreg.scid  }
0x8b: {  	s0 =	sand.u32 $0x1, s1  }
0x8c: {  	s17 =	sshll.u32 s0, $0xA;
	s2 =	sadd.s32 s3, s2  }
0x8d: {  	s2 =	sadd.s32 s2, s17  }
0x8e: {  	[smem:$0x3FC4] =	sst s2  }
0x8f: {  	_ = 	snop  }
0x90: {  	s2 =	sld [smem:$0x3FD0];
	(tm) =	ssettm $0x1  }
0x91: {  	s18 =	sld [smem:$0x3FFB];
	_ =	sdelay $0x3  }
0x92: {  	_ =	strace s18  }
0x93: {  	s3 =	sld [smem:$0x3FFC];
	_ =	sdelay $0x3  }
0x94: {  	_ =	strace s3  }
0x95: {  	s3 =	sld [smem:$0x3FFD];
	_ =	sdelay $0x3  }
0x96: {  	_ =	strace s3  }
0x97: {  	_ =	strace $0x8FFFFFFF  }
0x98: {  	s19 =	sld [smem:$0x3FDB];
	_ =	sdelay $0x1  }
0x99: {  	s4 =	simm.s32 $_scs_section_size  }
0x9a: {  	s5 =	simm.s32 $_size__tile_overlayer_lowered;
	s6 =	simm.s32 $_tile_overlayer_lowered  }
0x9b: {  	s22 =	simm.s32 $0x1BFF;
	s21 =	sshll.u32 s6, $0x1;
	s3 =	sadd.s32 s4, s19  }
0x9c: {  	s7 =	simm.s32 $0x0;
	s20 =	sshll.u32 s5, $0x1;
	s5 =	sadd.s32 s21, s3  }
0x9d: {  	[timem:s7], [sflag:s22] =	dma.local [hbm:s5], s20  }
0x9e: {  	_ =	swait.ge [sflag:s22], s20  }
0x9f: {  	s4 =	ssub.s32 $0x0, s20;
	[sflag:s22] =	ssyncset.done $0x0  }
0xa0: {  	[sflag:s22] =	ssyncadd.s32 s4;
	_ =	sdelay $0x1  }
0xa1: {  	s23 =	simm.s32 $0x1B8B  }
0xa2: {  	_ =	swait.ge [sflag:s23], $0x1  }
0xa3: {  	[sflag:s23] =	ssyncset.done $0x0  }
0xa4: {  	s25 =	simm.s32 $0x1B8E;
	s24 =	sld [smem:$0x3FFE];
	[sflag:s23] =	ssyncadd.s32 $0xFFFFFFFF  }
0xa5: {  	s26 =	simm.s32 $execute0_lowered;
	[smem:$0x3FD2] =	sst s25  }
0xa6: {  	s5 =	sshll.u32 s26, $0x1;
	_ =	strace $0x8000004C;
	[dreg:$0x1] =	wrdreg $0xFFFFFFFF  }
0xa7: {  	s28 =	simm.s32 $_size_execute0_lowered;
	s3 =	sadd.s32 s3, s5;
	[dreg:$0x0] =	wrdreg $0x0  }
0xa8: {  	s5 =	sshll.u32 s28, $0x1;
	[dreg:$0x2] =	wrdreg s3  }
0xa9: {  	[dreg:$0x3] =	wrdreg s5  }
0xaa: {  	[dreg:$0x4] =	wrdreg $0xC0  }
0xab: {  	_ =	task [dreg:s7], $0x5FFFF  }
0xac: {  	[dreg:$0x1] =	wrdreg $0xFFFFFFFF  }
0xad: {  	[dreg:$0x0] =	wrdreg $0x60  }
0xae: {  	[dreg:$0x2] =	wrdreg s24  }
0xaf: {  	[dreg:$0x3] =	wrdreg s2  }
0xb0: {  	[dreg:$0x4] =	wrdreg $0x9  }
0xb1: {  	_ =	task.clear_ibuf [dreg:s7], $0x5FFFF;
	_ =	strace $0x9000004C  }
0xb2: {  	s29 =	simm.s32 $0x9;
	_ =	strace $0x8000004E  }
0xb3: {  	_ =	swait.ge [sflag:s29], $0x1  }
0xb4: {  	[sflag:s29] =	ssyncadd.s32 $0xFFFFFFFF  }
0xb5: {  	_ =	strace $0x9000004E  }
0xb6: {  	_ =	sfence  }
0xb7: {  	s30 =	sld [smem:$0x0];
	_ =	sdelay $0x2  }
0xb8: {  	s31 =	sshll.u32 s1, $0xD;
	s1 =	sshrl.u32 s1, $0x2  }
0xb9: {  	s3 =	sand.u32 $0x4000, s31;
	s1 =	sadd.s32 s1, s30  }
0xba: {  	s0 =	sor.u32 s3, s0;
	s1 =	sshll.u32 s1, $0x11  }
0xbb: {  	s0 =	sor.u32 s1, s0  }
0xbc: {  	s0 =	sadd.s32 $0x8F2B, s0  }
0xbd: {  	[sflag:s0] =	ssyncadd.remote.s32 $0x1  }
0xbe: {  	_ =	sfence.sel $0xFFFF  }
0xbf: {  	[dreg:$0x0] =	wrdreg $0xFFFFFFFF;
	(pc) =	sbr.abs _section_cstart, $3  }
0xc0: {  	[dreg:$0x1] =	wrdreg $0xFFFFFFFF  }
0xc1: {  	_ =	task.clear_ibuf [dreg:s7], $0x2FFFF;
	_ =	strace $0x9FFFFFFF  }
0xc2: {  	(tm) =	ssettm $0x7FFFFFFF  }
0xc3: {  	_ =	shalt  }
tec
execute0_lowered:
.L_overlay_start_1:
0x0: {  	(tag) =	ssettag $0x1  }
0x1: {  	s3 =	rddreg [dreg:$0x0]  }
0x2: {  	s11 =	rddreg [dreg:$0x1]  }
0x3: {  	s0 =	rddreg [dreg:$0x2];
	s4 =	srdreg.scid  }
0x4: {  	s2 =	simm.s32 $0x0;
	s1 =	stileid.u32;
	s16 =	simm.s32 $0x1  }
0x5: {  	s17 =	simm.s32 $0x2;
	s18 =	simm.s32 $0x10000;
	s19 =	simm.s32 $0x3  }
0x6: {  	s20 =	simm.s32 $0x0;
	s4 =	sand.u32 $0x1, s4;
	[smem:$0x7FF] =	sst s2  }
0x7: {  	s5 =	sshll.u32 s1, $0xA;
	s10 =	sadd.s32 $0xC00, s3;
	s6 =	sshll.u32 s4, $0x9  }
0x8: {  	s13 =	sadd.s32 $0x40C00, s3;
	s4 =	ssub.s32 $0x2, s4;
	s9 =	sor.u32 s6, s5  }
0x9: {  	_ =	strace $0x8000004D;
	s30 =	sshrl.u32 s4, $0x1;
	s12 =	sshll.u32 s9, $0x4  }
0xa: {  	s14 =	ssub.s32 s4, s30;
	s15 =	sshrl.u32 s9, $0x3;
	s3 =	sadd.s32 s10, s12  }
0xb: {  	s4 =	sadd.s32 s13, s12;
	s31 =	sor.u32 $0x800, s12;
	s8 =	sor.u32 $0x1000, s12  }
0xc: {  	s12 =	sor.u32 $0x1800, s12;
	s11 =	sadd.s32 s11, s15;
	s15 =	simm.s32 $0xC000  }
0xd: {  	s5 =	sadd.s32 s10, s31;
	s6 =	sadd.s32 s13, s31;
	s7 =	sadd.s32 s10, s8  }
0xe: {  	v0 =	vlaneseq.u32;
	s8 =	sadd.s32 s13, s8;
	s9 =	sadd.s32 s10, s12;
	s10 =	sadd.s32 s13, s12  }
0xf: {  	v0 =	vmul.u32 $0x80, v0;
	s12 =	smax.u32 s14, $0x1;
	s13 =	simm.s32 $0x8000;
	s14 =	simm.s32 $0x4000  }
.LBB2_1:
0x10: {  	[tilespmem:s2], [sflag:$0x1] =	stream.linear.gather [hbm4b:s3+s2], $0x4000, $0x38;
	[tilespmem:$0x10200] =	vst v63  }
0x11: {  	_ = 	snop  }
0x12: {  	[tilespmem:s13], [sflag:$0x1] =	stream.linear.gather [hbm4b:s4+s2], $0x4000, $0x38;
	[tilespmem:$0x10200] =	vst v63  }
0x13: {  	_ = 	snop  }
0x14: {  	[tilespmem:s14], [sflag:$0x2] =	stream.linear.gather [hbm4b:s5+s2], $0x4000, $0x38;
	[tilespmem:$0x10200] =	vst v63  }
0x15: {  	_ = 	snop  }
0x16: {  	[tilespmem:s15], [sflag:$0x2] =	stream.linear.gather [hbm4b:s6+s2], $0x4000, $0x38;
	[tilespmem:$0x10200] =	vst v63  }
0x17: {  	_ =	swait.ge [sflag:s16], $0x4000  }
0x18: {  	[sflag:s16] =	ssyncset.done $0x0  }
0x19: {  	[sflag:s16] =	ssyncadd.s32 $0xFFFFC000  }
0x1a: {  	_ =	swait.ge [sflag:s16], $0x4000  }
0x1b: {  	[sflag:s16] =	ssyncset.done $0x0  }
0x1c: {  	s21 =	simm.s32 $0x0;
	[sflag:s16] =	ssyncadd.s32 $0xFFFFC000  }
.LBB2_2:
0x1d: {  	s22 =	simm.s32 $0x0  }
0x1e: {  	v1 =	vmov s22  }
0x1f: {  	s22 =	sshll.u32 s21, $0x4;
	v1 =	vshrl.u32 v1, $0x3  }
0x20: {  	v2 =	vmov s22;
	v1 =	vshll.u32 v1, $0x3  }
0x21: {  	v2 =	vshll.u32 v2, $0x7;
	v9 =	vbroadcast v1, $0x0  }
0x22: {  	v8 =	vor.u32 v0, v2  }
0x23: {  	v1 =	vor.u32 v8, v9  }
0x24: {  	v7 =	vor.u32 $0x1, v8  }
0x25: {  	v2 =	vadd.s32 v7, v9  }
0x26: {  	v6 =	vor.u32 $0x2, v8  }
0x27: {  	v13 =	vadd.s32 v6, v9  }
0x28: {  	v4 =	vor.u32 $0x3, v8;
	v16 =	vld.idx.msk [tilespmem:v1+s2+$0x0], $0xffff  }
0x29: {  	v22 =	vadd.s32 v4, v9;
	v18 =	vld.idx.msk [tilespmem:v1+s13+$0x0], $0xffff  }
0x2a: {  	v5 =	vor.u32 $0x4, v8;
	v11 =	vld.idx.msk [tilespmem:v2+s2+$0x0], $0xffff  }
0x2b: {  	s23 =	simm.s32 $0x8;
	v17 =	vadd.s32 v5, v9;
	v12 =	vld.idx.msk [tilespmem:v2+s13+$0x0], $0xffff  }
0x2c: {  	v15 =	vmov s23;
	v3 =	vor.u32 $0x5, v8;
	v10 =	vld.idx.msk [tilespmem:v13+s2+$0x0], $0xffff  }
0x2d: {  	v20 =	vshrl.u32 v15, $0x3;
	v15 =	vadd.s32 v3, v9;
	v14 =	vld.idx.msk [tilespmem:v13+s13+$0x0], $0xffff  }
0x2e: {  	v19 =	vimm.f32 $0.0e+00;
	v20 =	vshll.u32 v20, $0x3;
	v2 =	vor.u32 $0x6, v8;
	v13 =	vld.idx.msk [tilespmem:v22+s2+$0x0], $0xffff  }
0x2f: {  	s23 =	simm.s32 $0x10;
	v1 =	vor.u32 $0x7, v8;
	v21 =	vmul.f32 v18, v16;
	v18 =	vld.idx.msk [tilespmem:v22+s13+$0x0], $0xffff;
	v16 =	vadd.s32 v2, v9  }
.LBB2_3:
0x30: {  	p0 =	sne.s32 s23, $0x38;
	v20 =	vbroadcast v20, $0x0;
	v22 =	vld.idx.msk [tilespmem:v17+s2+$0x0], $0xffff  }
0x31: {  	v11 =	vmul.f32 v12, v11;
	v19 =	vadd.f32 v21, v19;
	v12 =	vld.idx.msk [tilespmem:v17+s13+$0x0], $0xffff;
	v17 =	vadd.s32 v1, v9  }
0x32: {  	v21 =	vld.idx.msk [tilespmem:v15+s2+$0x0], $0xffff;
	v9 =	vmov v20  }
0x33: {  	v10 =	vmul.f32 v14, v10;
	v20 =	vor.u32 v8, v9;
	v11 =	vadd.f32 v11, v19;
	v14 =	vld.idx.msk [tilespmem:v15+s13+$0x0], $0xffff  }
0x34: {  	v15 =	vld.idx.msk [tilespmem:v16+s2+$0x0], $0xffff  }
0x35: {  	v19 =	vadd.s32 v7, v9;
	v10 =	vadd.f32 v10, v11;
	v11 =	vmul.f32 v18, v13;
	v13 =	vld.idx.msk [tilespmem:v16+s13+$0x0], $0xffff  }
0x36: {  	v16 =	vld.idx.msk [tilespmem:v17+s2+$0x0], $0xffff  }
0x37: {  	v18 =	vadd.s32 v6, v9;
	v10 =	vadd.f32 v11, v10;
	v11 =	vmul.f32 v12, v22;
	v22 =	vld.idx.msk [tilespmem:v17+s13+$0x0], $0xffff  }
0x38: {  	v23 =	vld.idx.msk [tilespmem:v20+s2+$0x0], $0xffff  }
0x39: {  	v25 =	vadd.s32 v4, v9;
	v14 =	vmul.f32 v14, v21;
	v24 =	vld.idx.msk [tilespmem:v20+s13+$0x0], $0xffff;
	v10 =	vadd.f32 v11, v10  }
0x3a: {  	v20 =	vmov s23;
	v11 =	vld.idx.msk [tilespmem:v19+s2+$0x0], $0xffff  }
.Ltmp0:
0x3b: {  	v17 =	vadd.s32 v5, v9;
	v13 =	vmul.f32 v13, v15;
	v12 =	vld.idx.msk [tilespmem:v19+s13+$0x0], $0xffff;
	v19 =	vadd.f32 v14, v10;
	(pc) =	sbr.rel @p0 .LBB2_3-.Ltmp0, $4  }
0x3c: {  	v20 =	vshrl.u32 v20, $0x3;
	v10 =	vld.idx.msk [tilespmem:v18+s2+$0x0], $0xffff  }
0x3d: {  	v15 =	vadd.s32 v3, v9;
	v22 =	vmul.f32 v22, v16;
	v14 =	vld.idx.msk [tilespmem:v18+s13+$0x0], $0xffff;
	v19 =	vadd.f32 v13, v19  }
0x3e: {  	v20 =	vshll.u32 v20, $0x3;
	v13 =	vld.idx.msk [tilespmem:v25+s2+$0x0], $0xffff  }
0x3f: {  	s23 =	sadd.s32 $0x8, s23;
	v16 =	vadd.s32 v2, v9;
	v21 =	vmul.f32 v24, v23;
	v18 =	vld.idx.msk [tilespmem:v25+s13+$0x0], $0xffff;
	v19 =	vadd.f32 v22, v19  }
0x40: {  	_ =	sdelay $0x3  }
0x41: {  	v22 =	vld.idx.msk [tilespmem:v17+s2+$0x0], $0xffff;
	v11 =	vmul.f32 v12, v11;
	v19 =	vadd.f32 v21, v19  }
0x42: {  	v45 =	vbroadcast v20, $0x0;
	v46 =	vld.idx.msk [tilespmem:v17+s13+$0x0], $0xffff;
	v9 =	vadd.s32 v1, v9  }
0x43: {  	v47 =	vld.idx.msk [tilespmem:v15+s2+$0x0], $0xffff;
	v10 =	vmul.f32 v14, v10;
	v11 =	vadd.f32 v11, v19  }
0x44: {  	v48 =	vld.idx.msk [tilespmem:v15+s13+$0x0], $0xffff;
	v8 =	vor.u32 v8, v45  }
0x45: {  	v49 =	vld.idx.msk [tilespmem:v16+s2+$0x0], $0xffff;
	v50 =	vmul.f32 v18, v13;
	v10 =	vadd.f32 v10, v11  }
0x46: {  	v51 =	vld.idx.msk [tilespmem:v16+s13+$0x0], $0xffff;
	v7 =	vadd.s32 v7, v45  }
0x47: {  	v52 =	vld.idx.msk [tilespmem:v9+s2+$0x0], $0xffff;
	v53 =	vmul.f32 v46, v22;
	v10 =	vadd.f32 v50, v10  }
0x48: {  	v6 =	vadd.s32 v6, v45;
	v9 =	vld.idx.msk [tilespmem:v9+s13+$0x0], $0xffff  }
0x49: {  	v55 =	vmul.f32 v48, v47;
	v54 =	vld.idx.msk [tilespmem:v8+s2+$0x0], $0xffff;
	v10 =	vadd.f32 v53, v10  }
0x4a: {  	v4 =	vadd.s32 v4, v45;
	v8 =	vld.idx.msk [tilespmem:v8+s13+$0x0], $0xffff  }
0x4b: {  	v57 =	vmul.f32 v51, v49;
	v56 =	vld.idx.msk [tilespmem:v7+s2+$0x0], $0xffff;
	v10 =	vadd.f32 v55, v10  }
0x4c: {  	v5 =	vadd.s32 v5, v45;
	v7 =	vld.idx.msk [tilespmem:v7+s13+$0x0], $0xffff  }
0x4d: {  	v58 =	vld.idx.msk [tilespmem:v6+s2+$0x0], $0xffff;
	v9 =	vmul.f32 v9, v52;
	v10 =	vadd.f32 v57, v10  }
0x4e: {  	v3 =	vadd.s32 v3, v45;
	v6 =	vld.idx.msk [tilespmem:v6+s13+$0x0], $0xffff  }
0x4f: {  	v59 =	vld.idx.msk [tilespmem:v4+s2+$0x0], $0xffff;
	v8 =	vmul.f32 v8, v54;
	v9 =	vadd.f32 v9, v10  }
0x50: {  	v2 =	vadd.s32 v2, v45;
	v4 =	vld.idx.msk [tilespmem:v4+s13+$0x0], $0xffff  }
0x51: {  	v60 =	vld.idx.msk [tilespmem:v5+s2+$0x0], $0xffff;
	v7 =	vmul.f32 v7, v56;
	v8 =	vadd.f32 v8, v9  }
0x52: {  	v1 =	vadd.s32 v1, v45;
	v5 =	vld.idx.msk [tilespmem:v5+s13+$0x0], $0xffff  }
0x53: {  	v61 =	vld.idx.msk [tilespmem:v3+s2+$0x0], $0xffff;
	v6 =	vmul.f32 v6, v58;
	v7 =	vadd.f32 v7, v8  }
0x54: {  	v3 =	vld.idx.msk [tilespmem:v3+s13+$0x0], $0xffff  }
0x55: {  	v62 =	vld.idx.msk [tilespmem:v2+s2+$0x0], $0xffff;
	v4 =	vmul.f32 v4, v59;
	v6 =	vadd.f32 v6, v7  }
0x56: {  	v2 =	vld.idx.msk [tilespmem:v2+s13+$0x0], $0xffff  }
0x57: {  	v63 =	vld.idx.msk [tilespmem:v1+s2+$0x0], $0xffff;
	v5 =	vmul.f32 v5, v60;
	v4 =	vadd.f32 v4, v6  }
0x58: {  	v1 =	vld.idx.msk [tilespmem:v1+s13+$0x0], $0xffff  }
0x59: {  	v3 =	vmul.f32 v3, v61;
	v4 =	vadd.f32 v5, v4;
	_ =	sdelay $0x1  }
0x5a: {  	s21 =	sadd.s32 $0x1, s21;
	v2 =	vmul.f32 v2, v62;
	v3 =	vadd.f32 v3, v4  }
0x5b: {  	p0 =	sne.s32 s21, $0x8  }
.Ltmp1:
0x5c: {  	v1 =	vmul.f32 v1, v63;
	v2 =	vadd.f32 v2, v3;
	(pc) =	sbr.rel @p0 .LBB2_2-.Ltmp1, $3  }
0x5d: {  	_ = 	snop  }
0x5e: {  	v1 =	vadd.f32 v1, v2;
	_ =	sdelay $0x1  }
0x5f: {  	[tilespmem:s22+$0x10000] =	vst v1  }
0x60: {  	s21 =	simm.s32 $0x0  }
0x61: {  	[tilespmem:s21], [sflag:$0x1] =	stream.linear.gather [hbm4b:s7+s21], $0x4000, $0x38;
	[tilespmem:$0x10200] =	vst v63  }
0x62: {  	_ = 	snop  }
0x63: {  	[tilespmem:s13], [sflag:$0x1] =	stream.linear.gather [hbm4b:s8+s21], $0x4000, $0x38;
	[tilespmem:$0x10200] =	vst v63  }
0x64: {  	_ =	swait.ge [sflag:s17], $0x4000  }
0x65: {  	[sflag:s17] =	ssyncset.done $0x0  }
0x66: {  	[sflag:s17] =	ssyncadd.s32 $0xFFFFC000  }
0x67: {  	_ =	swait.ge [sflag:s17], $0x4000  }
0x68: {  	[sflag:s17] =	ssyncset.done $0x0  }
0x69: {  	s22 =	simm.s32 $0x0;
	[sflag:s17] =	ssyncadd.s32 $0xFFFFC000  }
.LBB2_6:
0x6a: {  	v1 =	vmov s21  }
0x6b: {  	s23 =	sshll.u32 s22, $0x4;
	v1 =	vshrl.u32 v1, $0x3  }
0x6c: {  	v2 =	vmov s23;
	v1 =	vshll.u32 v1, $0x3  }
0x6d: {  	v2 =	vshll.u32 v2, $0x7;
	v9 =	vbroadcast v1, $0x0  }
0x6e: {  	v8 =	vor.u32 v0, v2  }
0x6f: {  	v1 =	vor.u32 v8, v9  }
0x70: {  	v7 =	vor.u32 $0x1, v8  }
0x71: {  	v2 =	vadd.s32 v7, v9  }
0x72: {  	v6 =	vor.u32 $0x2, v8  }
0x73: {  	v13 =	vadd.s32 v6, v9  }
0x74: {  	v4 =	vor.u32 $0x3, v8;
	v16 =	vld.idx.msk [tilespmem:v1+s14+$0x0], $0xffff  }
0x75: {  	v22 =	vadd.s32 v4, v9;
	v18 =	vld.idx.msk [tilespmem:v1+s15+$0x0], $0xffff  }
0x76: {  	v5 =	vor.u32 $0x4, v8;
	v11 =	vld.idx.msk [tilespmem:v2+s14+$0x0], $0xffff  }
0x77: {  	s24 =	simm.s32 $0x8;
	v17 =	vadd.s32 v5, v9;
	v12 =	vld.idx.msk [tilespmem:v2+s15+$0x0], $0xffff  }
0x78: {  	v15 =	vmov s24;
	v3 =	vor.u32 $0x5, v8;
	v10 =	vld.idx.msk [tilespmem:v13+s14+$0x0], $0xffff  }
0x79: {  	v20 =	vshrl.u32 v15, $0x3;
	v15 =	vadd.s32 v3, v9;
	v14 =	vld.idx.msk [tilespmem:v13+s15+$0x0], $0xffff  }
0x7a: {  	v19 =	vimm.f32 $0.0e+00;
	v20 =	vshll.u32 v20, $0x3;
	v2 =	vor.u32 $0x6, v8;
	v13 =	vld.idx.msk [tilespmem:v22+s14+$0x0], $0xffff  }
0x7b: {  	s24 =	simm.s32 $0x10;
	v1 =	vor.u32 $0x7, v8;
	v21 =	vmul.f32 v18, v16;
	v18 =	vld.idx.msk [tilespmem:v22+s15+$0x0], $0xffff;
	v16 =	vadd.s32 v2, v9  }
.LBB2_7:
0x7c: {  	p0 =	sne.s32 s24, $0x38;
	v20 =	vbroadcast v20, $0x0;
	v22 =	vld.idx.msk [tilespmem:v17+s14+$0x0], $0xffff  }
0x7d: {  	v11 =	vmul.f32 v12, v11;
	v19 =	vadd.f32 v21, v19;
	v12 =	vld.idx.msk [tilespmem:v17+s15+$0x0], $0xffff;
	v17 =	vadd.s32 v1, v9  }
0x7e: {  	v21 =	vld.idx.msk [tilespmem:v15+s14+$0x0], $0xffff;
	v9 =	vmov v20  }
0x7f: {  	v10 =	vmul.f32 v14, v10;
	v20 =	vor.u32 v8, v9;
	v11 =	vadd.f32 v11, v19;
	v14 =	vld.idx.msk [tilespmem:v15+s15+$0x0], $0xffff  }
0x80: {  	v15 =	vld.idx.msk [tilespmem:v16+s14+$0x0], $0xffff  }
0x81: {  	v19 =	vadd.s32 v7, v9;
	v10 =	vadd.f32 v10, v11;
	v11 =	vmul.f32 v18, v13;
	v13 =	vld.idx.msk [tilespmem:v16+s15+$0x0], $0xffff  }
0x82: {  	v16 =	vld.idx.msk [tilespmem:v17+s14+$0x0], $0xffff  }
0x83: {  	v18 =	vadd.s32 v6, v9;
	v10 =	vadd.f32 v11, v10;
	v11 =	vmul.f32 v12, v22;
	v22 =	vld.idx.msk [tilespmem:v17+s15+$0x0], $0xffff  }
0x84: {  	v23 =	vld.idx.msk [tilespmem:v20+s14+$0x0], $0xffff  }
0x85: {  	v25 =	vadd.s32 v4, v9;
	v14 =	vmul.f32 v14, v21;
	v24 =	vld.idx.msk [tilespmem:v20+s15+$0x0], $0xffff;
	v10 =	vadd.f32 v11, v10  }
0x86: {  	v20 =	vmov s24;
	v11 =	vld.idx.msk [tilespmem:v19+s14+$0x0], $0xffff  }
.Ltmp2:
0x87: {  	v17 =	vadd.s32 v5, v9;
	v13 =	vmul.f32 v13, v15;
	v12 =	vld.idx.msk [tilespmem:v19+s15+$0x0], $0xffff;
	v19 =	vadd.f32 v14, v10;
	(pc) =	sbr.rel @p0 .LBB2_7-.Ltmp2, $4  }
0x88: {  	v20 =	vshrl.u32 v20, $0x3;
	v10 =	vld.idx.msk [tilespmem:v18+s14+$0x0], $0xffff  }
0x89: {  	v15 =	vadd.s32 v3, v9;
	v22 =	vmul.f32 v22, v16;
	v14 =	vld.idx.msk [tilespmem:v18+s15+$0x0], $0xffff;
	v19 =	vadd.f32 v13, v19  }
0x8a: {  	v20 =	vshll.u32 v20, $0x3;
	v13 =	vld.idx.msk [tilespmem:v25+s14+$0x0], $0xffff  }
0x8b: {  	s24 =	sadd.s32 $0x8, s24;
	v16 =	vadd.s32 v2, v9;
	v21 =	vmul.f32 v24, v23;
	v18 =	vld.idx.msk [tilespmem:v25+s15+$0x0], $0xffff;
	v19 =	vadd.f32 v22, v19  }
0x8c: {  	_ =	sdelay $0x3  }
0x8d: {  	v22 =	vld.idx.msk [tilespmem:v17+s14+$0x0], $0xffff;
	v11 =	vmul.f32 v12, v11;
	v19 =	vadd.f32 v21, v19  }
0x8e: {  	v45 =	vbroadcast v20, $0x0;
	v46 =	vld.idx.msk [tilespmem:v17+s15+$0x0], $0xffff;
	v9 =	vadd.s32 v1, v9  }
0x8f: {  	v47 =	vld.idx.msk [tilespmem:v15+s14+$0x0], $0xffff;
	v10 =	vmul.f32 v14, v10;
	v11 =	vadd.f32 v11, v19  }
0x90: {  	v48 =	vld.idx.msk [tilespmem:v15+s15+$0x0], $0xffff;
	v8 =	vor.u32 v8, v45  }
0x91: {  	v49 =	vld.idx.msk [tilespmem:v16+s14+$0x0], $0xffff;
	v50 =	vmul.f32 v18, v13;
	v10 =	vadd.f32 v10, v11  }
0x92: {  	v51 =	vld.idx.msk [tilespmem:v16+s15+$0x0], $0xffff;
	v7 =	vadd.s32 v7, v45  }
0x93: {  	v52 =	vld.idx.msk [tilespmem:v9+s14+$0x0], $0xffff;
	v53 =	vmul.f32 v46, v22;
	v10 =	vadd.f32 v50, v10  }
0x94: {  	v6 =	vadd.s32 v6, v45;
	v9 =	vld.idx.msk [tilespmem:v9+s15+$0x0], $0xffff  }
0x95: {  	v55 =	vmul.f32 v48, v47;
	v54 =	vld.idx.msk [tilespmem:v8+s14+$0x0], $0xffff;
	v10 =	vadd.f32 v53, v10  }
0x96: {  	v4 =	vadd.s32 v4, v45;
	v8 =	vld.idx.msk [tilespmem:v8+s15+$0x0], $0xffff  }
0x97: {  	v57 =	vmul.f32 v51, v49;
	v56 =	vld.idx.msk [tilespmem:v7+s14+$0x0], $0xffff;
	v10 =	vadd.f32 v55, v10  }
0x98: {  	v5 =	vadd.s32 v5, v45;
	v7 =	vld.idx.msk [tilespmem:v7+s15+$0x0], $0xffff  }
0x99: {  	v58 =	vld.idx.msk [tilespmem:v6+s14+$0x0], $0xffff;
	v9 =	vmul.f32 v9, v52;
	v10 =	vadd.f32 v57, v10  }
0x9a: {  	v3 =	vadd.s32 v3, v45;
	v6 =	vld.idx.msk [tilespmem:v6+s15+$0x0], $0xffff  }
0x9b: {  	v59 =	vld.idx.msk [tilespmem:v4+s14+$0x0], $0xffff;
	v8 =	vmul.f32 v8, v54;
	v9 =	vadd.f32 v9, v10  }
0x9c: {  	v2 =	vadd.s32 v2, v45;
	v4 =	vld.idx.msk [tilespmem:v4+s15+$0x0], $0xffff  }
0x9d: {  	v60 =	vld.idx.msk [tilespmem:v5+s14+$0x0], $0xffff;
	v7 =	vmul.f32 v7, v56;
	v8 =	vadd.f32 v8, v9  }
0x9e: {  	v1 =	vadd.s32 v1, v45;
	v5 =	vld.idx.msk [tilespmem:v5+s15+$0x0], $0xffff  }
0x9f: {  	v61 =	vld.idx.msk [tilespmem:v3+s14+$0x0], $0xffff;
	v6 =	vmul.f32 v6, v58;
	v7 =	vadd.f32 v7, v8  }
0xa0: {  	v3 =	vld.idx.msk [tilespmem:v3+s15+$0x0], $0xffff  }
0xa1: {  	v62 =	vld.idx.msk [tilespmem:v2+s14+$0x0], $0xffff;
	v4 =	vmul.f32 v4, v59;
	v6 =	vadd.f32 v6, v7  }
0xa2: {  	v2 =	vld.idx.msk [tilespmem:v2+s15+$0x0], $0xffff  }
0xa3: {  	v63 =	vld.idx.msk [tilespmem:v1+s14+$0x0], $0xffff;
	v5 =	vmul.f32 v5, v60;
	v4 =	vadd.f32 v4, v6  }
0xa4: {  	v1 =	vld.idx.msk [tilespmem:v1+s15+$0x0], $0xffff  }
0xa5: {  	v3 =	vmul.f32 v3, v61;
	v4 =	vadd.f32 v5, v4;
	_ =	sdelay $0x1  }
0xa6: {  	s22 =	sadd.s32 $0x1, s22;
	v2 =	vmul.f32 v2, v62;
	v3 =	vadd.f32 v3, v4  }
0xa7: {  	p0 =	sne.s32 s22, $0x8  }
.Ltmp3:
0xa8: {  	v1 =	vmul.f32 v1, v63;
	v2 =	vadd.f32 v2, v3;
	(pc) =	sbr.rel @p0 .LBB2_6-.Ltmp3, $3  }
0xa9: {  	_ = 	snop  }
0xaa: {  	v1 =	vadd.f32 v1, v2;
	_ =	sdelay $0x1  }
0xab: {  	[tilespmem:s23+$0x10080] =	vst v1  }
0xac: {  	s21 =	simm.s32 $0x0  }
0xad: {  	[tilespmem:s14], [sflag:$0x2] =	stream.linear.gather [hbm4b:s9+s21], $0x4000, $0x38;
	[tilespmem:$0x10200] =	vst v63  }
0xae: {  	_ = 	snop  }
0xaf: {  	[tilespmem:s15], [sflag:$0x2] =	stream.linear.gather [hbm4b:s10+s21], $0x4000, $0x38;
	[tilespmem:$0x10200] =	vst v63  }
0xb0: {  	_ =	swait.ge [sflag:s16], $0x4000  }
0xb1: {  	[sflag:s16] =	ssyncset.done $0x0  }
0xb2: {  	[sflag:s16] =	ssyncadd.s32 $0xFFFFC000  }
0xb3: {  	_ =	swait.ge [sflag:s16], $0x4000  }
0xb4: {  	[sflag:s16] =	ssyncset.done $0x0  }
0xb5: {  	s22 =	simm.s32 $0x0;
	[sflag:s16] =	ssyncadd.s32 $0xFFFFC000  }
.LBB2_10:
0xb6: {  	v1 =	vmov s21  }
0xb7: {  	s23 =	sshll.u32 s22, $0x4;
	v1 =	vshrl.u32 v1, $0x3  }
0xb8: {  	v2 =	vmov s23;
	v1 =	vshll.u32 v1, $0x3  }
0xb9: {  	v2 =	vshll.u32 v2, $0x7;
	v9 =	vbroadcast v1, $0x0  }
0xba: {  	v8 =	vor.u32 v0, v2  }
0xbb: {  	v1 =	vor.u32 v8, v9  }
0xbc: {  	v7 =	vor.u32 $0x1, v8  }
0xbd: {  	v2 =	vadd.s32 v7, v9  }
0xbe: {  	v6 =	vor.u32 $0x2, v8  }
0xbf: {  	v13 =	vadd.s32 v6, v9  }
0xc0: {  	v4 =	vor.u32 $0x3, v8;
	v16 =	vld.idx.msk [tilespmem:v1+s2+$0x0], $0xffff  }
0xc1: {  	v22 =	vadd.s32 v4, v9;
	v18 =	vld.idx.msk [tilespmem:v1+s13+$0x0], $0xffff  }
0xc2: {  	v5 =	vor.u32 $0x4, v8;
	v11 =	vld.idx.msk [tilespmem:v2+s2+$0x0], $0xffff  }
0xc3: {  	s24 =	simm.s32 $0x8;
	v17 =	vadd.s32 v5, v9;
	v12 =	vld.idx.msk [tilespmem:v2+s13+$0x0], $0xffff  }
0xc4: {  	v15 =	vmov s24;
	v3 =	vor.u32 $0x5, v8;
	v10 =	vld.idx.msk [tilespmem:v13+s2+$0x0], $0xffff  }
0xc5: {  	v20 =	vshrl.u32 v15, $0x3;
	v15 =	vadd.s32 v3, v9;
	v14 =	vld.idx.msk [tilespmem:v13+s13+$0x0], $0xffff  }
0xc6: {  	v19 =	vimm.f32 $0.0e+00;
	v20 =	vshll.u32 v20, $0x3;
	v2 =	vor.u32 $0x6, v8;
	v13 =	vld.idx.msk [tilespmem:v22+s2+$0x0], $0xffff  }
0xc7: {  	s24 =	simm.s32 $0x10;
	v1 =	vor.u32 $0x7, v8;
	v21 =	vmul.f32 v18, v16;
	v18 =	vld.idx.msk [tilespmem:v22+s13+$0x0], $0xffff;
	v16 =	vadd.s32 v2, v9  }
.LBB2_11:
0xc8: {  	p0 =	sne.s32 s24, $0x38;
	v20 =	vbroadcast v20, $0x0;
	v22 =	vld.idx.msk [tilespmem:v17+s2+$0x0], $0xffff  }
0xc9: {  	v11 =	vmul.f32 v12, v11;
	v19 =	vadd.f32 v21, v19;
	v12 =	vld.idx.msk [tilespmem:v17+s13+$0x0], $0xffff;
	v17 =	vadd.s32 v1, v9  }
0xca: {  	v21 =	vld.idx.msk [tilespmem:v15+s2+$0x0], $0xffff;
	v9 =	vmov v20  }
0xcb: {  	v10 =	vmul.f32 v14, v10;
	v20 =	vor.u32 v8, v9;
	v11 =	vadd.f32 v11, v19;
	v14 =	vld.idx.msk [tilespmem:v15+s13+$0x0], $0xffff  }
0xcc: {  	v15 =	vld.idx.msk [tilespmem:v16+s2+$0x0], $0xffff  }
0xcd: {  	v19 =	vadd.s32 v7, v9;
	v10 =	vadd.f32 v10, v11;
	v11 =	vmul.f32 v18, v13;
	v13 =	vld.idx.msk [tilespmem:v16+s13+$0x0], $0xffff  }
0xce: {  	v16 =	vld.idx.msk [tilespmem:v17+s2+$0x0], $0xffff  }
0xcf: {  	v18 =	vadd.s32 v6, v9;
	v10 =	vadd.f32 v11, v10;
	v11 =	vmul.f32 v12, v22;
	v22 =	vld.idx.msk [tilespmem:v17+s13+$0x0], $0xffff  }
0xd0: {  	v23 =	vld.idx.msk [tilespmem:v20+s2+$0x0], $0xffff  }
0xd1: {  	v25 =	vadd.s32 v4, v9;
	v14 =	vmul.f32 v14, v21;
	v24 =	vld.idx.msk [tilespmem:v20+s13+$0x0], $0xffff;
	v10 =	vadd.f32 v11, v10  }
0xd2: {  	v20 =	vmov s24;
	v11 =	vld.idx.msk [tilespmem:v19+s2+$0x0], $0xffff  }
.Ltmp4:
0xd3: {  	v17 =	vadd.s32 v5, v9;
	v13 =	vmul.f32 v13, v15;
	v12 =	vld.idx.msk [tilespmem:v19+s13+$0x0], $0xffff;
	v19 =	vadd.f32 v14, v10;
	(pc) =	sbr.rel @p0 .LBB2_11-.Ltmp4, $4  }
0xd4: {  	v20 =	vshrl.u32 v20, $0x3;
	v10 =	vld.idx.msk [tilespmem:v18+s2+$0x0], $0xffff  }
0xd5: {  	v15 =	vadd.s32 v3, v9;
	v22 =	vmul.f32 v22, v16;
	v14 =	vld.idx.msk [tilespmem:v18+s13+$0x0], $0xffff;
	v19 =	vadd.f32 v13, v19  }
0xd6: {  	v20 =	vshll.u32 v20, $0x3;
	v13 =	vld.idx.msk [tilespmem:v25+s2+$0x0], $0xffff  }
0xd7: {  	s24 =	sadd.s32 $0x8, s24;
	v16 =	vadd.s32 v2, v9;
	v21 =	vmul.f32 v24, v23;
	v18 =	vld.idx.msk [tilespmem:v25+s13+$0x0], $0xffff;
	v19 =	vadd.f32 v22, v19  }
0xd8: {  	_ =	sdelay $0x3  }
0xd9: {  	v22 =	vld.idx.msk [tilespmem:v17+s2+$0x0], $0xffff;
	v11 =	vmul.f32 v12, v11;
	v19 =	vadd.f32 v21, v19  }
0xda: {  	v45 =	vbroadcast v20, $0x0;
	v46 =	vld.idx.msk [tilespmem:v17+s13+$0x0], $0xffff;
	v9 =	vadd.s32 v1, v9  }
0xdb: {  	v47 =	vld.idx.msk [tilespmem:v15+s2+$0x0], $0xffff;
	v10 =	vmul.f32 v14, v10;
	v11 =	vadd.f32 v11, v19  }
0xdc: {  	v48 =	vld.idx.msk [tilespmem:v15+s13+$0x0], $0xffff;
	v8 =	vor.u32 v8, v45  }
0xdd: {  	v49 =	vld.idx.msk [tilespmem:v16+s2+$0x0], $0xffff;
	v50 =	vmul.f32 v18, v13;
	v10 =	vadd.f32 v10, v11  }
0xde: {  	v51 =	vld.idx.msk [tilespmem:v16+s13+$0x0], $0xffff;
	v7 =	vadd.s32 v7, v45  }
0xdf: {  	v52 =	vld.idx.msk [tilespmem:v9+s2+$0x0], $0xffff;
	v53 =	vmul.f32 v46, v22;
	v10 =	vadd.f32 v50, v10  }
0xe0: {  	v6 =	vadd.s32 v6, v45;
	v9 =	vld.idx.msk [tilespmem:v9+s13+$0x0], $0xffff  }
0xe1: {  	v55 =	vmul.f32 v48, v47;
	v54 =	vld.idx.msk [tilespmem:v8+s2+$0x0], $0xffff;
	v10 =	vadd.f32 v53, v10  }
0xe2: {  	v4 =	vadd.s32 v4, v45;
	v8 =	vld.idx.msk [tilespmem:v8+s13+$0x0], $0xffff  }
0xe3: {  	v57 =	vmul.f32 v51, v49;
	v56 =	vld.idx.msk [tilespmem:v7+s2+$0x0], $0xffff;
	v10 =	vadd.f32 v55, v10  }
0xe4: {  	v5 =	vadd.s32 v5, v45;
	v7 =	vld.idx.msk [tilespmem:v7+s13+$0x0], $0xffff  }
0xe5: {  	v58 =	vld.idx.msk [tilespmem:v6+s2+$0x0], $0xffff;
	v9 =	vmul.f32 v9, v52;
	v10 =	vadd.f32 v57, v10  }
0xe6: {  	v3 =	vadd.s32 v3, v45;
	v6 =	vld.idx.msk [tilespmem:v6+s13+$0x0], $0xffff  }
0xe7: {  	v59 =	vld.idx.msk [tilespmem:v4+s2+$0x0], $0xffff;
	v8 =	vmul.f32 v8, v54;
	v9 =	vadd.f32 v9, v10  }
0xe8: {  	v2 =	vadd.s32 v2, v45;
	v4 =	vld.idx.msk [tilespmem:v4+s13+$0x0], $0xffff  }
0xe9: {  	v60 =	vld.idx.msk [tilespmem:v5+s2+$0x0], $0xffff;
	v7 =	vmul.f32 v7, v56;
	v8 =	vadd.f32 v8, v9  }
0xea: {  	v1 =	vadd.s32 v1, v45;
	v5 =	vld.idx.msk [tilespmem:v5+s13+$0x0], $0xffff  }
0xeb: {  	v61 =	vld.idx.msk [tilespmem:v3+s2+$0x0], $0xffff;
	v6 =	vmul.f32 v6, v58;
	v7 =	vadd.f32 v7, v8  }
0xec: {  	v3 =	vld.idx.msk [tilespmem:v3+s13+$0x0], $0xffff  }
0xed: {  	v62 =	vld.idx.msk [tilespmem:v2+s2+$0x0], $0xffff;
	v4 =	vmul.f32 v4, v59;
	v6 =	vadd.f32 v6, v7  }
0xee: {  	v2 =	vld.idx.msk [tilespmem:v2+s13+$0x0], $0xffff  }
0xef: {  	v63 =	vld.idx.msk [tilespmem:v1+s2+$0x0], $0xffff;
	v5 =	vmul.f32 v5, v60;
	v4 =	vadd.f32 v4, v6  }
0xf0: {  	v1 =	vld.idx.msk [tilespmem:v1+s13+$0x0], $0xffff  }
0xf1: {  	v3 =	vmul.f32 v3, v61;
	v4 =	vadd.f32 v5, v4;
	_ =	sdelay $0x1  }
0xf2: {  	s22 =	sadd.s32 $0x1, s22;
	v2 =	vmul.f32 v2, v62;
	v3 =	vadd.f32 v3, v4  }
0xf3: {  	p0 =	sne.s32 s22, $0x8  }
.Ltmp5:
0xf4: {  	v1 =	vmul.f32 v1, v63;
	v2 =	vadd.f32 v2, v3;
	(pc) =	sbr.rel @p0 .LBB2_10-.Ltmp5, $3  }
0xf5: {  	_ = 	snop  }
0xf6: {  	v1 =	vadd.f32 v1, v2;
	_ =	sdelay $0x1  }
0xf7: {  	[tilespmem:s23+$0x10100] =	vst v1  }
0xf8: {  	_ =	swait.ge [sflag:s17], $0x4000  }
0xf9: {  	[sflag:s17] =	ssyncset.done $0x0  }
0xfa: {  	[sflag:s17] =	ssyncadd.s32 $0xFFFFC000  }
0xfb: {  	_ =	swait.ge [sflag:s17], $0x4000  }
0xfc: {  	[sflag:s17] =	ssyncset.done $0x0  }
0xfd: {  	s21 =	simm.s32 $0x0;
	s22 =	simm.s32 $0x0;
	[sflag:s17] =	ssyncadd.s32 $0xFFFFC000  }
.LBB2_14:
0xfe: {  	v1 =	vmov s21  }
0xff: {  	s23 =	sshll.u32 s22, $0x4;
	v1 =	vshrl.u32 v1, $0x3  }
0x100: {  	v2 =	vmov s23;
	v1 =	vshll.u32 v1, $0x3  }
0x101: {  	v2 =	vshll.u32 v2, $0x7;
	v9 =	vbroadcast v1, $0x0  }
0x102: {  	v8 =	vor.u32 v0, v2  }
0x103: {  	v1 =	vor.u32 v8, v9  }
0x104: {  	v7 =	vor.u32 $0x1, v8  }
0x105: {  	v2 =	vadd.s32 v7, v9  }
0x106: {  	v6 =	vor.u32 $0x2, v8  }
0x107: {  	v13 =	vadd.s32 v6, v9  }
0x108: {  	v4 =	vor.u32 $0x3, v8;
	v16 =	vld.idx.msk [tilespmem:v1+s14+$0x0], $0xffff  }
0x109: {  	v22 =	vadd.s32 v4, v9;
	v18 =	vld.idx.msk [tilespmem:v1+s15+$0x0], $0xffff  }
0x10a: {  	v5 =	vor.u32 $0x4, v8;
	v11 =	vld.idx.msk [tilespmem:v2+s14+$0x0], $0xffff  }
0x10b: {  	s24 =	simm.s32 $0x8;
	v17 =	vadd.s32 v5, v9;
	v12 =	vld.idx.msk [tilespmem:v2+s15+$0x0], $0xffff  }
0x10c: {  	v15 =	vmov s24;
	v3 =	vor.u32 $0x5, v8;
	v10 =	vld.idx.msk [tilespmem:v13+s14+$0x0], $0xffff  }
0x10d: {  	v20 =	vshrl.u32 v15, $0x3;
	v15 =	vadd.s32 v3, v9;
	v14 =	vld.idx.msk [tilespmem:v13+s15+$0x0], $0xffff  }
0x10e: {  	v19 =	vimm.f32 $0.0e+00;
	v20 =	vshll.u32 v20, $0x3;
	v2 =	vor.u32 $0x6, v8;
	v13 =	vld.idx.msk [tilespmem:v22+s14+$0x0], $0xffff  }
0x10f: {  	s24 =	simm.s32 $0x10;
	v1 =	vor.u32 $0x7, v8;
	v21 =	vmul.f32 v18, v16;
	v18 =	vld.idx.msk [tilespmem:v22+s15+$0x0], $0xffff;
	v16 =	vadd.s32 v2, v9  }
.LBB2_15:
0x110: {  	p0 =	sne.s32 s24, $0x38;
	v20 =	vbroadcast v20, $0x0;
	v22 =	vld.idx.msk [tilespmem:v17+s14+$0x0], $0xffff  }
0x111: {  	v11 =	vmul.f32 v12, v11;
	v19 =	vadd.f32 v21, v19;
	v12 =	vld.idx.msk [tilespmem:v17+s15+$0x0], $0xffff;
	v17 =	vadd.s32 v1, v9  }
0x112: {  	v21 =	vld.idx.msk [tilespmem:v15+s14+$0x0], $0xffff;
	v9 =	vmov v20  }
0x113: {  	v10 =	vmul.f32 v14, v10;
	v20 =	vor.u32 v8, v9;
	v11 =	vadd.f32 v11, v19;
	v14 =	vld.idx.msk [tilespmem:v15+s15+$0x0], $0xffff  }
0x114: {  	v15 =	vld.idx.msk [tilespmem:v16+s14+$0x0], $0xffff  }
0x115: {  	v19 =	vadd.s32 v7, v9;
	v10 =	vadd.f32 v10, v11;
	v11 =	vmul.f32 v18, v13;
	v13 =	vld.idx.msk [tilespmem:v16+s15+$0x0], $0xffff  }
0x116: {  	v16 =	vld.idx.msk [tilespmem:v17+s14+$0x0], $0xffff  }
0x117: {  	v18 =	vadd.s32 v6, v9;
	v10 =	vadd.f32 v11, v10;
	v11 =	vmul.f32 v12, v22;
	v22 =	vld.idx.msk [tilespmem:v17+s15+$0x0], $0xffff  }
0x118: {  	v23 =	vld.idx.msk [tilespmem:v20+s14+$0x0], $0xffff  }
0x119: {  	v25 =	vadd.s32 v4, v9;
	v14 =	vmul.f32 v14, v21;
	v24 =	vld.idx.msk [tilespmem:v20+s15+$0x0], $0xffff;
	v10 =	vadd.f32 v11, v10  }
0x11a: {  	v20 =	vmov s24;
	v11 =	vld.idx.msk [tilespmem:v19+s14+$0x0], $0xffff  }
.Ltmp6:
0x11b: {  	v17 =	vadd.s32 v5, v9;
	v13 =	vmul.f32 v13, v15;
	v12 =	vld.idx.msk [tilespmem:v19+s15+$0x0], $0xffff;
	v19 =	vadd.f32 v14, v10;
	(pc) =	sbr.rel @p0 .LBB2_15-.Ltmp6, $4  }
0x11c: {  	v20 =	vshrl.u32 v20, $0x3;
	v10 =	vld.idx.msk [tilespmem:v18+s14+$0x0], $0xffff  }
0x11d: {  	v15 =	vadd.s32 v3, v9;
	v22 =	vmul.f32 v22, v16;
	v14 =	vld.idx.msk [tilespmem:v18+s15+$0x0], $0xffff;
	v19 =	vadd.f32 v13, v19  }
0x11e: {  	v20 =	vshll.u32 v20, $0x3;
	v13 =	vld.idx.msk [tilespmem:v25+s14+$0x0], $0xffff  }
0x11f: {  	s24 =	sadd.s32 $0x8, s24;
	v16 =	vadd.s32 v2, v9;
	v21 =	vmul.f32 v24, v23;
	v18 =	vld.idx.msk [tilespmem:v25+s15+$0x0], $0xffff;
	v19 =	vadd.f32 v22, v19  }
0x120: {  	_ =	sdelay $0x3  }
0x121: {  	v22 =	vld.idx.msk [tilespmem:v17+s14+$0x0], $0xffff;
	v11 =	vmul.f32 v12, v11;
	v19 =	vadd.f32 v21, v19  }
0x122: {  	v45 =	vbroadcast v20, $0x0;
	v46 =	vld.idx.msk [tilespmem:v17+s15+$0x0], $0xffff;
	v9 =	vadd.s32 v1, v9  }
0x123: {  	v47 =	vld.idx.msk [tilespmem:v15+s14+$0x0], $0xffff;
	v10 =	vmul.f32 v14, v10;
	v11 =	vadd.f32 v11, v19  }
0x124: {  	v48 =	vld.idx.msk [tilespmem:v15+s15+$0x0], $0xffff;
	v8 =	vor.u32 v8, v45  }
0x125: {  	v49 =	vld.idx.msk [tilespmem:v16+s14+$0x0], $0xffff;
	v50 =	vmul.f32 v18, v13;
	v10 =	vadd.f32 v10, v11  }
0x126: {  	v51 =	vld.idx.msk [tilespmem:v16+s15+$0x0], $0xffff;
	v7 =	vadd.s32 v7, v45  }
0x127: {  	v52 =	vld.idx.msk [tilespmem:v9+s14+$0x0], $0xffff;
	v53 =	vmul.f32 v46, v22;
	v10 =	vadd.f32 v50, v10  }
0x128: {  	v6 =	vadd.s32 v6, v45;
	v9 =	vld.idx.msk [tilespmem:v9+s15+$0x0], $0xffff  }
0x129: {  	v55 =	vmul.f32 v48, v47;
	v54 =	vld.idx.msk [tilespmem:v8+s14+$0x0], $0xffff;
	v10 =	vadd.f32 v53, v10  }
0x12a: {  	v4 =	vadd.s32 v4, v45;
	v8 =	vld.idx.msk [tilespmem:v8+s15+$0x0], $0xffff  }
0x12b: {  	v57 =	vmul.f32 v51, v49;
	v56 =	vld.idx.msk [tilespmem:v7+s14+$0x0], $0xffff;
	v10 =	vadd.f32 v55, v10  }
0x12c: {  	v5 =	vadd.s32 v5, v45;
	v7 =	vld.idx.msk [tilespmem:v7+s15+$0x0], $0xffff  }
0x12d: {  	v58 =	vld.idx.msk [tilespmem:v6+s14+$0x0], $0xffff;
	v9 =	vmul.f32 v9, v52;
	v10 =	vadd.f32 v57, v10  }
0x12e: {  	v3 =	vadd.s32 v3, v45;
	v6 =	vld.idx.msk [tilespmem:v6+s15+$0x0], $0xffff  }
0x12f: {  	v59 =	vld.idx.msk [tilespmem:v4+s14+$0x0], $0xffff;
	v8 =	vmul.f32 v8, v54;
	v9 =	vadd.f32 v9, v10  }
0x130: {  	v2 =	vadd.s32 v2, v45;
	v4 =	vld.idx.msk [tilespmem:v4+s15+$0x0], $0xffff  }
0x131: {  	v60 =	vld.idx.msk [tilespmem:v5+s14+$0x0], $0xffff;
	v7 =	vmul.f32 v7, v56;
	v8 =	vadd.f32 v8, v9  }
0x132: {  	v1 =	vadd.s32 v1, v45;
	v5 =	vld.idx.msk [tilespmem:v5+s15+$0x0], $0xffff  }
0x133: {  	v61 =	vld.idx.msk [tilespmem:v3+s14+$0x0], $0xffff;
	v6 =	vmul.f32 v6, v58;
	v7 =	vadd.f32 v7, v8  }
0x134: {  	v3 =	vld.idx.msk [tilespmem:v3+s15+$0x0], $0xffff  }
0x135: {  	v62 =	vld.idx.msk [tilespmem:v2+s14+$0x0], $0xffff;
	v4 =	vmul.f32 v4, v59;
	v6 =	vadd.f32 v6, v7  }
0x136: {  	v2 =	vld.idx.msk [tilespmem:v2+s15+$0x0], $0xffff  }
0x137: {  	v63 =	vld.idx.msk [tilespmem:v1+s14+$0x0], $0xffff;
	v5 =	vmul.f32 v5, v60;
	v4 =	vadd.f32 v4, v6  }
0x138: {  	v1 =	vld.idx.msk [tilespmem:v1+s15+$0x0], $0xffff  }
0x139: {  	v3 =	vmul.f32 v3, v61;
	v4 =	vadd.f32 v5, v4;
	_ =	sdelay $0x1  }
0x13a: {  	s22 =	sadd.s32 $0x1, s22;
	v2 =	vmul.f32 v2, v62;
	v3 =	vadd.f32 v3, v4  }
0x13b: {  	p0 =	sne.s32 s22, $0x8  }
.Ltmp7:
0x13c: {  	v1 =	vmul.f32 v1, v63;
	v2 =	vadd.f32 v2, v3;
	(pc) =	sbr.rel @p0 .LBB2_14-.Ltmp7, $3  }
0x13d: {  	_ = 	snop  }
0x13e: {  	v1 =	vadd.f32 v1, v2;
	_ =	sdelay $0x1  }
0x13f: {  	[tilespmem:s23+$0x10180] =	vst v1  }
0x140: {  	s20 =	sadd.s32 $0x1, s20  }
0x141: {  	p0 =	sne.s32 s20, s12  }
.Ltmp8:
0x142: {  	_ = 	snop;
	(pc) =	sbr.rel @p0 .LBB2_1-.Ltmp8, $4  }
0x143: {  	[hbm4b:s11+s2] =	stream.linear.scatter [tilespmem:s18], [sflag:$0x3], $0x200, $0x38;
	[tilespmem:$0x10200] =	vst v63  }
0x144: {  	_ =	swait.ge [sflag:s19], $0x200  }
0x145: {  	[sflag:s19] =	ssyncset.done $0x0  }
0x146: {  	[sflag:s19] =	ssyncadd.s32 $0xFFFFFE00  }
0x147: {  	_ =	sfence.sel $0x180000  }
0x148: {  	[bflag:$0x0] =	sbarrier.arrive $0xFFFF  }
0x149: {  	p0 =	sne.s32 s1, $0x0;
	_ =	strace $0x9000004D  }
0x14a: {  	s0 =	sadd.s32 @!p0 $0x100000, s0;
	[bflag:$0x2] =	sbarrier.arrive $0xFFFF  }
0x14b: {  	[sflag:s0] =	ssyncadd.tile.s32 @!p0 $0x1;
	_ =	shalt  }
.Lfunc_end2:
_tile_overlayer_lowered:
.L_overlay_start_2:
0x14c: {  	(tag) =	ssettag $0x2  }
0x14d: {  	s0 =	rddreg [dreg:$0x0];
	s2 =	stileid.u32  }
0x14e: {  	s1 =	rddreg [dreg:$0x1];
	p0 =	sne.s32 s2, $0x0  }
0x14f: {  	s3 =	rddreg [dreg:$0x2];
	[bflag:$0x3] =	sbarrier.arrive $0xFFFF;
	s2 =	simm.s32 @!p0 $0x1C03  }
0x150: {  	[timem:s3], [sflag:s2] =	dma.local @!p0 [hbm:s0], s1  }
0x151: {  	s0 =	simm.s32 @!p0 $0x3  }
0x152: {  	_ =	swait.ge @!p0 [sflag:s0], s1  }
0x153: {  	s1 =	ssub.s32 @!p0 $0x0, s1;
	[sflag:s0] =	ssyncset.done @!p0 $0x0  }
0x154: {  	[sflag:s0] =	ssyncadd.s32 @!p0 s1  }
0x155: {  	[bflag:$0x3] =	sbarrier.arrive $0xFFFF  }
0x156: {  	_ =	shalt  }

// kernel: _run.5.cloned.1.call-start
scs
__scs_entry_jumppad:
0x0: {  	(pc) =	sbr.rel $0x88, $3  }
0x1: {  	(tag) =	ssettag $0x0;
	lr =	simm.s32 $0x1  }
0x2: {  	[smem:$0x3F9D] =	sst lr;
	_ =	strace $0xD0000000  }
0x3: {  	_ = 	snop  }
0x4: {  	_ = 	snop  }
0x5: {  	_ = 	snop  }
0x6: {  	_ = 	snop  }
0x7: {  	_ = 	snop  }
__scs_overlays_trampoline_lowered:
0x8: {  	[smem:$0x3FAC] =	sst s0  }
0x9: {  	[smem:$0x3FAD] =	sst s1  }
0xa: {  	[smem:$0x3FAE] =	sst s2  }
0xb: {  	[smem:$0x3FAF] =	sst s3  }
0xc: {  	[smem:$0x3FB0] =	sst s4  }
0xd: {  	[smem:$0x3FB1] =	sst s5  }
0xe: {  	[smem:$0x3FB2] =	sst s6  }
0xf: {  	[smem:$0x3FB3] =	sst s7  }
0x10: {  	[smem:$0x3FB4] =	sst s8  }
0x11: {  	[smem:$0x3FB5] =	sst s9;
	s0 =	simm.s32 @!p0 $0x0  }
0x12: {  	s1 =	sld [smem:$0x3F9B];
	s0 =	simm.s32 @p0 $0x1  }
0x13: {  	[smem:$0x3FB6] =	sst s0;
	s0 =	simm.s32 @!p1 $0x0  }
0x14: {  	s2 =	sld [smem:$0x3F9A];
	s0 =	simm.s32 @p1 $0x1  }
0x15: {  	[smem:$0x3FB7] =	sst s0;
	s0 =	simm.s32 @!p2 $0x0  }
0x16: {  	s3 =	sld [smem:$0x3FDB];
	s0 =	simm.s32 @p2 $0x1  }
0x17: {  	s4 =	simm.s32 $0x1BF5;
	[smem:$0x3FB9] =	sst s0  }
0x18: {  	s0 =	sld [smem:$0x3F9C];
	_ =	swait.ge [sflag:s4], $0x0  }
0x19: {  	s7 =	sld [smem:$0x3F9D]  }
0x1a: {  	s8 =	sadd.s32 $0xFFFFE003, lr  }
0x1b: {  	s9 =	sadd.s32 $0xFFFFFEF7, lr;
	s5 =	simm.s32 $0xFFFFFFFF;
	p2 =	slt.u32 s8, $0xFFFFF086  }
0x1c: {  	p1 =	slt.u32 s9, $0xF7A;
	s5 =	simm.s32 @!p2 $0x0  }
0x1d: {  	s5 =	simm.s32 @p1 $0x1;
	p0 =	seq.s32 s7, s2  }
0x1e: {  	s7 =	smul.u32 @!p0 $0xF7A, s2;
	p2 =	seq.s32 @!p0 s5, $0x0  }
0x1f: {  	s9 =	smul.u32 $0xF7A, s1;
	s8 =	simm.s32 @!p0 $0x1BF5;
	p2 =	por !p2, p0  }
0x20: {  	[sflag:s8] =	ssyncset.s32 @!p0 $0xFFFFF086;
	s6 =	sadd.s32 @!p0 s3, s7;
	s7 =	simm.s32 @!p0 $0x108  }
0x21: {  	s3 =	sadd.s32 s3, s9;
	s6 =	sadd.s32 @!p0 $0x88, s6;
	s7 =	simm.s32 @p2 $0x1082  }
0x22: {  	[simem:s7], [sflag:s8] =	dma.local @!p0 [hbm:s6], $0xF7A  }
0x23: {  	s9 =	sor.u32 $0xD0000000, s2;
	s6 =	simm.s32 $0x108;
	_ =	swait.ge @!p0 [sflag:s8], $0x0  }
0x24: {  	s3 =	sadd.s32 $0x88, s3;
	s6 =	simm.s32 @!p1 $0x1082;
	[sflag:s4] =	ssyncset.s32 $0xFFFFF086  }
0x25: {  	[simem:s6], [sflag:s4] =	dma.local [hbm:s3], $0xF7A  }
0x26: {  	[smem:$0x3F9D] =	sst s1;
	(tag) =	ssettag s2;
	_ =	strace s9  }
0x27: {  	s1 =	sld [smem:$0x3FAD]  }
0x28: {  	s2 =	sld [smem:$0x3FAE]  }
0x29: {  	s4 =	sld [smem:$0x3FB0]  }
0x2a: {  	p0 =	seq.s32 s5, $0x0;
	s5 =	sld [smem:$0x3FB1]  }
0x2b: {  	s6 =	sld [smem:$0x3FB2]  }
0x2c: {  	s7 =	sld [smem:$0x3FB3]  }
0x2d: {  	s3 =	simm.s32 $0x108;
	s8 =	sld [smem:$0x3FB4]  }
0x2e: {  	s3 =	simm.s32 @!p0 $0x1082;
	s9 =	sld [smem:$0x3FB5]  }
0x2f: {  	lr =	sadd.s32 s0, s3;
	s0 =	sld [smem:$0x3FAC]  }
0x30: {  	s3 =	sld [smem:$0x3FAF]  }
0x31: {  	[smem:$0x3FB8] =	sst s10  }
0x32: {  	s10 =	sld [smem:$0x3FB6];
	_ =	sdelay $0x3  }
0x33: {  	p0 =	seq.s32 s10, $0x1;
	s10 =	sld [smem:$0x3FB8];
	_ =	sdelay $0x3  }
0x34: {  	[smem:$0x3FB8] =	sst s10  }
0x35: {  	s10 =	sld [smem:$0x3FB7];
	_ =	sdelay $0x3  }
0x36: {  	p1 =	seq.s32 s10, $0x1;
	s10 =	sld [smem:$0x3FB8];
	_ =	sdelay $0x3  }
0x37: {  	[smem:$0x3FB8] =	sst s10  }
0x38: {  	s10 =	sld [smem:$0x3FB9]  }
0x39: {  	_ = 	snop;
	(pc) =	sbr.ind lr, $3  }
0x3a: {  	_ = 	snop  }
0x3b: {  	_ = 	snop  }
0x3c: {  	p2 =	seq.s32 s10, $0x1;
	s10 =	sld [smem:$0x3FB8]  }
0x3d: {  	_ =	shalt  }
0x3e: {  	_ =	shalt  }
0x3f: {  	_ =	shalt  }
0x40: {  	_ =	shalt  }
0x41: {  	_ =	shalt  }
0x42: {  	_ =	shalt  }
0x43: {  	_ =	shalt  }
0x44: {  	_ =	shalt  }
0x45: {  	_ =	shalt  }
0x46: {  	_ =	shalt  }
0x47: {  	_ =	shalt  }
0x48: {  	_ =	shalt  }
0x49: {  	_ =	shalt  }
0x4a: {  	_ =	shalt  }
0x4b: {  	_ =	shalt  }
0x4c: {  	_ =	shalt  }
0x4d: {  	_ =	shalt  }
0x4e: {  	_ =	shalt  }
0x4f: {  	_ =	shalt  }
0x50: {  	_ =	shalt  }
0x51: {  	_ =	shalt  }
0x52: {  	_ =	shalt  }
0x53: {  	_ =	shalt  }
0x54: {  	_ =	shalt  }
0x55: {  	_ =	shalt  }
0x56: {  	_ =	shalt  }
0x57: {  	_ =	shalt  }
0x58: {  	_ =	shalt  }
0x59: {  	_ =	shalt  }
0x5a: {  	_ =	shalt  }
0x5b: {  	_ =	shalt  }
0x5c: {  	_ =	shalt  }
0x5d: {  	_ =	shalt  }
0x5e: {  	_ =	shalt  }
0x5f: {  	_ =	shalt  }
0x60: {  	_ =	shalt  }
0x61: {  	_ =	shalt  }
0x62: {  	_ =	shalt  }
0x63: {  	_ =	shalt  }
0x64: {  	_ =	shalt  }
0x65: {  	_ =	shalt  }
0x66: {  	_ =	shalt  }
0x67: {  	_ =	shalt  }
0x68: {  	_ =	shalt  }
0x69: {  	_ =	shalt  }
0x6a: {  	_ =	shalt  }
0x6b: {  	_ =	shalt  }
0x6c: {  	_ =	shalt  }
0x6d: {  	_ =	shalt  }
0x6e: {  	_ =	shalt  }
0x6f: {  	_ =	shalt  }
0x70: {  	_ =	shalt  }
0x71: {  	_ =	shalt  }
0x72: {  	_ =	shalt  }
0x73: {  	_ =	shalt  }
0x74: {  	_ =	shalt  }
0x75: {  	_ =	shalt  }
0x76: {  	_ =	shalt  }
0x77: {  	_ =	shalt  }
0x78: {  	_ =	shalt  }
0x79: {  	_ =	shalt  }
0x7a: {  	_ =	shalt  }
0x7b: {  	_ =	shalt  }
0x7c: {  	_ =	shalt  }
0x7d: {  	_ =	shalt  }
0x7e: {  	_ =	shalt  }
0x7f: {  	_ =	shalt  }
0x80: {  	_ =	shalt  }
0x81: {  	_ =	shalt  }
0x82: {  	_ =	shalt  }
0x83: {  	_ =	shalt  }
0x84: {  	_ =	shalt  }
0x85: {  	_ =	shalt  }
0x86: {  	_ =	shalt  }
0x87: {  	_ =	shalt  }
.Lfunc_end0:
.L_simem_size_0:
called_computation_lowered:
.L_overlay_start_0:
0x88: {  	s2 =	sld [smem:$0x3FD9]  }
0x89: {  	s3 =	sld [smem:$0x3FFE];
	_ =	sdelay $0x1  }
0x8a: {  	s1 =	srdreg.scid  }
0x8b: {  	s0 =	sand.u32 $0x1, s1  }
0x8c: {  	s17 =	sshll.u32 s0, $0xA;
	s2 =	sadd.s32 s3, s2  }
0x8d: {  	s2 =	sadd.s32 s2, s17  }
0x8e: {  	[smem:$0x3FC4] =	sst s2  }
0x8f: {  	_ = 	snop  }
0x90: {  	s2 =	sld [smem:$0x3FC9];
	(tm) =	ssettm $0x1  }
0x91: {  	s18 =	sld [smem:$0x3FFB];
	_ =	sdelay $0x3  }
0x92: {  	_ =	strace s18  }
0x93: {  	s3 =	sld [smem:$0x3FFC];
	_ =	sdelay $0x3  }
0x94: {  	_ =	strace s3  }
0x95: {  	s3 =	sld [smem:$0x3FFD];
	_ =	sdelay $0x3  }
0x96: {  	_ =	strace s3  }
0x97: {  	_ =	strace $0x8FFFFFFF  }
0x98: {  	s19 =	sld [smem:$0x3FDB];
	_ =	sdelay $0x1  }
0x99: {  	s4 =	simm.s32 $_scs_section_size  }
0x9a: {  	s5 =	simm.s32 $_size__tile_overlayer_lowered;
	s6 =	simm.s32 $_tile_overlayer_lowered  }
0x9b: {  	s22 =	simm.s32 $0x1BFF;
	s21 =	sshll.u32 s6, $0x1;
	s3 =	sadd.s32 s4, s19  }
0x9c: {  	s7 =	simm.s32 $0x0;
	s20 =	sshll.u32 s5, $0x1;
	s5 =	sadd.s32 s21, s3  }
0x9d: {  	[timem:s7], [sflag:s22] =	dma.local [hbm:s5], s20  }
0x9e: {  	_ =	swait.ge [sflag:s22], s20  }
0x9f: {  	s4 =	ssub.s32 $0x0, s20;
	[sflag:s22] =	ssyncset.done $0x0  }
0xa0: {  	[sflag:s22] =	ssyncadd.s32 s4;
	_ =	sdelay $0x1  }
0xa1: {  	s23 =	simm.s32 $0x1B8B  }
0xa2: {  	_ =	swait.ge [sflag:s23], $0x1  }
0xa3: {  	[sflag:s23] =	ssyncset.done $0x0  }
0xa4: {  	s25 =	simm.s32 $0x1B8E;
	s24 =	sld [smem:$0x3FFE];
	[sflag:s23] =	ssyncadd.s32 $0xFFFFFFFF  }
0xa5: {  	s26 =	simm.s32 $execute0_lowered;
	[smem:$0x3FD2] =	sst s25  }
0xa6: {  	s5 =	sshll.u32 s26, $0x1;
	_ =	strace $0x80000046;
	[dreg:$0x1] =	wrdreg $0xFFFFFFFF  }
0xa7: {  	s28 =	simm.s32 $_size_execute0_lowered;
	s3 =	sadd.s32 s3, s5;
	[dreg:$0x0] =	wrdreg $0x0  }
0xa8: {  	s5 =	sshll.u32 s28, $0x1;
	[dreg:$0x2] =	wrdreg s3  }
0xa9: {  	[dreg:$0x3] =	wrdreg s5  }
0xaa: {  	[dreg:$0x4] =	wrdreg $0xC0  }
0xab: {  	_ =	task [dreg:s7], $0x5FFFF  }
0xac: {  	[dreg:$0x1] =	wrdreg $0xFFFFFFFF  }
0xad: {  	[dreg:$0x0] =	wrdreg $0x60  }
0xae: {  	[dreg:$0x2] =	wrdreg s2  }
0xaf: {  	[dreg:$0x3] =	wrdreg s24  }
0xb0: {  	[dreg:$0x4] =	wrdreg $0x9  }
0xb1: {  	_ =	task.clear_ibuf [dreg:s7], $0x5FFFF;
	_ =	strace $0x90000046  }
0xb2: {  	s29 =	simm.s32 $0x9;
	_ =	strace $0x80000048  }
0xb3: {  	_ =	swait.ge [sflag:s29], $0x1  }
0xb4: {  	[sflag:s29] =	ssyncadd.s32 $0xFFFFFFFF  }
0xb5: {  	_ =	strace $0x90000048  }
0xb6: {  	_ =	sfence  }
0xb7: {  	s30 =	sld [smem:$0x0];
	_ =	sdelay $0x2  }
0xb8: {  	s31 =	sshll.u32 s1, $0xD;
	s1 =	sshrl.u32 s1, $0x2  }
0xb9: {  	s3 =	sand.u32 $0x4000, s31;
	s1 =	sadd.s32 s1, s30  }
0xba: {  	s0 =	sor.u32 s3, s0;
	s1 =	sshll.u32 s1, $0x11  }
0xbb: {  	s0 =	sor.u32 s1, s0  }
0xbc: {  	s0 =	sadd.s32 $0x8F2B, s0  }
0xbd: {  	[sflag:s0] =	ssyncadd.remote.s32 $0x1  }
0xbe: {  	_ =	sfence.sel $0xFFFF  }
0xbf: {  	[dreg:$0x0] =	wrdreg $0xFFFFFFFF;
	(pc) =	sbr.abs _section_cstart, $3  }
0xc0: {  	[dreg:$0x1] =	wrdreg $0xFFFFFFFF  }
0xc1: {  	_ =	task.clear_ibuf [dreg:s7], $0x2FFFF;
	_ =	strace $0x9FFFFFFF  }
0xc2: {  	(tm) =	ssettm $0x7FFFFFFF  }
0xc3: {  	_ =	shalt  }
tec
execute0_lowered:
.L_overlay_start_1:
0x0: {  	(tag) =	ssettag $0x1  }
0x1: {  	s1 =	srdreg.scid  }
0x2: {  	s3 =	rddreg [dreg:$0x0];
	s0 =	stileid.u32;
	s18 =	sand.u32 $0x1, s1  }
0x3: {  	s10 =	rddreg [dreg:$0x1];
	s4 =	sshll.u32 s0, $0xA;
	s5 =	sshll.u32 s18, $0x9  }
0x4: {  	s2 =	simm.s32 $0x0;
	s1 =	rddreg [dreg:$0x2];
	s11 =	sor.u32 s5, s4  }
0x5: {  	[smem:$0x7FF] =	sst s2;
	s4 =	sshrl.u32 s11, $0x3  }
0x6: {  	_ =	strace $0x80000047;
	s3 =	sadd.s32 s3, s4;
	s4 =	simm.s32 $0x5  }
0x7: {  	[tilespmem:s2], [sflag:$0x5] =	stream.linear.gather [hbm4b:s3+s2], $0x200, $0x38;
	[tilespmem:$0x8200] =	vst v63  }
0x8: {  	_ =	swait.ge [sflag:s4], $0x200  }
0x9: {  	s6 =	simm.s32 $0x80;
	[sflag:s4] =	ssyncset.done $0x0  }
0xa: {  	s7 =	simm.s32 $0x200;
	s5 =	sadd.s32 $0xF43000, s10;
	[sflag:s4] =	ssyncadd.s32 $0xFFFFFE00  }
0xb: {  	[tilespmem:s7], [sflag:$0x1] =	stream.indirect.gather [hbm4b:s5+s6], $0x80, s2, s6, $0xb8;
	[tilespmem:$0x8200] =	vst v63  }
0xc: {  	s8 =	simm.s32 $0x4200;
	s9 =	simm.s32 $0x1  }
0xd: {  	[tilespmem:s8], [sflag:$0x2] =	stream.indirect.gather [hbm4b:s5+s6], $0x80, s6, s6, $0xb8;
	[tilespmem:$0x8200] =	vst v63  }
0xe: {  	s11 =	sshll.u32 s11, $0x4;
	_ =	swait.ge [sflag:s9], $0x4000  }
0xf: {  	s19 =	sadd.s32 s11, s10;
	[sflag:s9] =	ssyncset.done $0x0  }
0x10: {  	s11 =	simm.s32 $0x3;
	s10 =	sadd.s32 $0xC00, s19;
	[sflag:s9] =	ssyncadd.s32 $0xFFFFC000  }
0x11: {  	[hbm4b:s10+s2] =	stream.linear.scatter [tilespmem:s7], [sflag:$0x3], $0x4000, $0x38;
	[tilespmem:$0x8200] =	vst v63  }
0x12: {  	_ =	swait.ge [sflag:s11], $0x4000  }
0x13: {  	[sflag:s11] =	ssyncset.done $0x0  }
0x14: {  	s12 =	simm.s32 $0x100;
	s13 =	simm.s32 $0x2;
	[sflag:s11] =	ssyncadd.s32 $0xFFFFC000  }
0x15: {  	[tilespmem:s7], [sflag:$0x1] =	stream.indirect.gather [hbm4b:s5+s6], $0x80, s12, s6, $0xb8;
	[tilespmem:$0x8200] =	vst v63  }
0x16: {  	_ =	swait.ge [sflag:s13], $0x4000  }
0x17: {  	[sflag:s13] =	ssyncset.done $0x0  }
0x18: {  	s14 =	simm.s32 $0x4;
	s15 =	sadd.s32 $0x1400, s19;
	[sflag:s13] =	ssyncadd.s32 $0xFFFFC000  }
0x19: {  	[hbm4b:s15+s2] =	stream.linear.scatter [tilespmem:s8], [sflag:$0x4], $0x4000, $0x38;
	[tilespmem:$0x8200] =	vst v63  }
0x1a: {  	_ =	swait.ge [sflag:s14], $0x4000  }
0x1b: {  	[sflag:s14] =	ssyncset.done $0x0  }
0x1c: {  	s16 =	simm.s32 $0x180;
	[sflag:s14] =	ssyncadd.s32 $0xFFFFC000  }
0x1d: {  	[tilespmem:s8], [sflag:$0x2] =	stream.indirect.gather [hbm4b:s5+s6], $0x80, s16, s6, $0xb8;
	[tilespmem:$0x8200] =	vst v63  }
0x1e: {  	_ =	swait.ge [sflag:s9], $0x4000  }
0x1f: {  	s20 =	ssub.s32 $0x2, s18;
	[sflag:s9] =	ssyncset.done $0x0  }
0x20: {  	s31 =	sshrl.u32 s20, $0x1;
	s17 =	sadd.s32 $0x1C00, s19;
	[sflag:s9] =	ssyncadd.s32 $0xFFFFC000  }
0x21: {  	[hbm4b:s17+s2] =	stream.linear.scatter [tilespmem:s7], [sflag:$0x3], $0x4000, $0x38;
	[tilespmem:$0x8200] =	vst v63  }
0x22: {  	s18 =	sadd.s32 $0x2400, s19;
	s19 =	ssub.s32 s20, s31;
	_ =	swait.ge [sflag:s13], $0x4000  }
0x23: {  	s19 =	smax.u32 s19, $0x1;
	[sflag:s13] =	ssyncset.done $0x0  }
0x24: {  	p0 =	sne.s32 s19, $0x1;
	[sflag:s13] =	ssyncadd.s32 $0xFFFFC000  }
0x25: {  	[hbm4b:s18+s2] =	stream.linear.scatter [tilespmem:s8], [sflag:$0x4], $0x4000, $0x38;
	[tilespmem:$0x8200] =	vst v63  }
.Ltmp0:
0x26: {  	_ =	swait.ge [sflag:s11], $0x4000;
	(pc) =	sbr.rel @!p0 .LBB2_2-.Ltmp0, $4  }
0x27: {  	[sflag:s11] =	ssyncset.done $0x0  }
0x28: {  	[sflag:s11] =	ssyncadd.s32 $0xFFFFC000  }
0x29: {  	_ =	swait.ge [sflag:s14], $0x4000  }
0x2a: {  	s19 =	sadd.s32 $0xFFFFFFFF, s19;
	[sflag:s14] =	ssyncset.done $0x0  }
.LBB2_1:
0x2b: {  	p0 =	sne.s32 s19, $0x1;
	s19 =	sadd.s32 $0xFFFFFFFF, s19;
	[sflag:s14] =	ssyncadd.s32 $0xFFFFC000  }
0x2c: {  	[tilespmem:s2], [sflag:$0x5] =	stream.linear.gather [hbm4b:s3+s2], $0x200, $0x38;
	[tilespmem:$0x8200] =	vst v63  }
0x2d: {  	_ =	swait.ge [sflag:s4], $0x200  }
0x2e: {  	[sflag:s4] =	ssyncset.done $0x0  }
0x2f: {  	[sflag:s4] =	ssyncadd.s32 $0xFFFFFE00  }
0x30: {  	[tilespmem:s7], [sflag:$0x1] =	stream.indirect.gather [hbm4b:s5+s6], $0x80, s2, s6, $0xb8;
	[tilespmem:$0x8200] =	vst v63  }
0x31: {  	_ = 	snop  }
0x32: {  	[tilespmem:s8], [sflag:$0x2] =	stream.indirect.gather [hbm4b:s5+s6], $0x80, s6, s6, $0xb8;
	[tilespmem:$0x8200] =	vst v63  }
0x33: {  	_ =	swait.ge [sflag:s9], $0x4000  }
0x34: {  	[sflag:s9] =	ssyncset.done $0x0  }
0x35: {  	[sflag:s9] =	ssyncadd.s32 $0xFFFFC000  }
0x36: {  	[hbm4b:s10+s2] =	stream.linear.scatter [tilespmem:s7], [sflag:$0x3], $0x4000, $0x38;
	[tilespmem:$0x8200] =	vst v63  }
0x37: {  	_ =	swait.ge [sflag:s11], $0x4000  }
0x38: {  	[sflag:s11] =	ssyncset.done $0x0  }
0x39: {  	[sflag:s11] =	ssyncadd.s32 $0xFFFFC000  }
0x3a: {  	[tilespmem:s7], [sflag:$0x1] =	stream.indirect.gather [hbm4b:s5+s6], $0x80, s12, s6, $0xb8;
	[tilespmem:$0x8200] =	vst v63  }
0x3b: {  	_ =	swait.ge [sflag:s13], $0x4000  }
0x3c: {  	[sflag:s13] =	ssyncset.done $0x0  }
0x3d: {  	[sflag:s13] =	ssyncadd.s32 $0xFFFFC000  }
0x3e: {  	[hbm4b:s15+s2] =	stream.linear.scatter [tilespmem:s8], [sflag:$0x4], $0x4000, $0x38;
	[tilespmem:$0x8200] =	vst v63  }
0x3f: {  	_ =	swait.ge [sflag:s14], $0x4000  }
0x40: {  	[sflag:s14] =	ssyncset.done $0x0  }
0x41: {  	[sflag:s14] =	ssyncadd.s32 $0xFFFFC000  }
0x42: {  	[tilespmem:s8], [sflag:$0x2] =	stream.indirect.gather [hbm4b:s5+s6], $0x80, s16, s6, $0xb8;
	[tilespmem:$0x8200] =	vst v63  }
0x43: {  	_ =	swait.ge [sflag:s9], $0x4000  }
0x44: {  	[sflag:s9] =	ssyncset.done $0x0  }
0x45: {  	[sflag:s9] =	ssyncadd.s32 $0xFFFFC000  }
0x46: {  	[hbm4b:s17+s2] =	stream.linear.scatter [tilespmem:s7], [sflag:$0x3], $0x4000, $0x38;
	[tilespmem:$0x8200] =	vst v63  }
0x47: {  	_ =	swait.ge [sflag:s13], $0x4000  }
0x48: {  	[sflag:s13] =	ssyncset.done $0x0  }
0x49: {  	[sflag:s13] =	ssyncadd.s32 $0xFFFFC000  }
0x4a: {  	[hbm4b:s18+s2] =	stream.linear.scatter [tilespmem:s8], [sflag:$0x4], $0x4000, $0x38;
	[tilespmem:$0x8200] =	vst v63  }
.Ltmp1:
0x4b: {  	_ =	swait.ge [sflag:s11], $0x4000;
	(pc) =	sbr.rel @p0 .LBB2_1-.Ltmp1, $4  }
0x4c: {  	[sflag:s11] =	ssyncset.done $0x0  }
0x4d: {  	[sflag:s11] =	ssyncadd.s32 $0xFFFFC000  }
0x4e: {  	_ =	swait.ge [sflag:s14], $0x4000  }
0x4f: {  	[sflag:s14] =	ssyncset.done $0x0  }
.LBB2_2:
0x50: {  	[sflag:s14] =	ssyncadd.s32 $0xFFFFC000  }
0x51: {  	_ =	sfence.sel $0x180000  }
0x52: {  	[bflag:$0x0] =	sbarrier.arrive $0xFFFF  }
0x53: {  	p0 =	sne.s32 s0, $0x0;
	_ =	strace $0x90000047  }
0x54: {  	s0 =	sadd.s32 @!p0 $0x100000, s1;
	[bflag:$0x2] =	sbarrier.arrive $0xFFFF  }
0x55: {  	[sflag:s0] =	ssyncadd.tile.s32 @!p0 $0x1;
	_ =	shalt  }
.Lfunc_end2:
_tile_overlayer_lowered:
.L_overlay_start_2:
0x56: {  	(tag) =	ssettag $0x2  }
0x57: {  	s0 =	rddreg [dreg:$0x0];
	s2 =	stileid.u32  }
0x58: {  	s1 =	rddreg [dreg:$0x1];
	p0 =	sne.s32 s2, $0x0  }
0x59: {  	s3 =	rddreg [dreg:$0x2];
	[bflag:$0x3] =	sbarrier.arrive $0xFFFF;
	s2 =	simm.s32 @!p0 $0x1C05  }
0x5a: {  	[timem:s3], [sflag:s2] =	dma.local @!p0 [hbm:s0], s1  }
0x5b: {  	s0 =	simm.s32 @!p0 $0x5  }
0x5c: {  	_ =	swait.ge @!p0 [sflag:s0], s1  }
0x5d: {  	s1 =	ssub.s32 @!p0 $0x0, s1;
	[sflag:s0] =	ssyncset.done @!p0 $0x0  }
0x5e: {  	[sflag:s0] =	ssyncadd.s32 @!p0 s1  }
0x5f: {  	[bflag:$0x3] =	sbarrier.arrive $0xFFFF  }
0x60: {  	_ =	shalt  }

// kernel: _run.8.cloned.1.call-start
scs
__scs_entry_jumppad:
0x0: {  	(pc) =	sbr.rel $0x88, $3  }
0x1: {  	(tag) =	ssettag $0x0;
	lr =	simm.s32 $0x1  }
0x2: {  	[smem:$0x3F9D] =	sst lr;
	_ =	strace $0xD0000000  }
0x3: {  	_ = 	snop  }
0x4: {  	_ = 	snop  }
0x5: {  	_ = 	snop  }
0x6: {  	_ = 	snop  }
0x7: {  	_ = 	snop  }
__scs_overlays_trampoline_lowered:
0x8: {  	[smem:$0x3FAC] =	sst s0  }
0x9: {  	[smem:$0x3FAD] =	sst s1  }
0xa: {  	[smem:$0x3FAE] =	sst s2  }
0xb: {  	[smem:$0x3FAF] =	sst s3  }
0xc: {  	[smem:$0x3FB0] =	sst s4  }
0xd: {  	[smem:$0x3FB1] =	sst s5  }
0xe: {  	[smem:$0x3FB2] =	sst s6  }
0xf: {  	[smem:$0x3FB3] =	sst s7  }
0x10: {  	[smem:$0x3FB4] =	sst s8  }
0x11: {  	[smem:$0x3FB5] =	sst s9;
	s0 =	simm.s32 @!p0 $0x0  }
0x12: {  	s1 =	sld [smem:$0x3F9B];
	s0 =	simm.s32 @p0 $0x1  }
0x13: {  	[smem:$0x3FB6] =	sst s0;
	s0 =	simm.s32 @!p1 $0x0  }
0x14: {  	s2 =	sld [smem:$0x3F9A];
	s0 =	simm.s32 @p1 $0x1  }
0x15: {  	[smem:$0x3FB7] =	sst s0;
	s0 =	simm.s32 @!p2 $0x0  }
0x16: {  	s3 =	sld [smem:$0x3FDB];
	s0 =	simm.s32 @p2 $0x1  }
0x17: {  	s4 =	simm.s32 $0x1BF5;
	[smem:$0x3FB9] =	sst s0  }
0x18: {  	s0 =	sld [smem:$0x3F9C];
	_ =	swait.ge [sflag:s4], $0x0  }
0x19: {  	s7 =	sld [smem:$0x3F9D]  }
0x1a: {  	s8 =	sadd.s32 $0xFFFFE003, lr  }
0x1b: {  	s9 =	sadd.s32 $0xFFFFFEF7, lr;
	s5 =	simm.s32 $0xFFFFFFFF;
	p2 =	slt.u32 s8, $0xFFFFF086  }
0x1c: {  	p1 =	slt.u32 s9, $0xF7A;
	s5 =	simm.s32 @!p2 $0x0  }
0x1d: {  	s5 =	simm.s32 @p1 $0x1;
	p0 =	seq.s32 s7, s2  }
0x1e: {  	s7 =	smul.u32 @!p0 $0xF7A, s2;
	p2 =	seq.s32 @!p0 s5, $0x0  }
0x1f: {  	s9 =	smul.u32 $0xF7A, s1;
	s8 =	simm.s32 @!p0 $0x1BF5;
	p2 =	por !p2, p0  }
0x20: {  	[sflag:s8] =	ssyncset.s32 @!p0 $0xFFFFF086;
	s6 =	sadd.s32 @!p0 s3, s7;
	s7 =	simm.s32 @!p0 $0x108  }
0x21: {  	s3 =	sadd.s32 s3, s9;
	s6 =	sadd.s32 @!p0 $0x88, s6;
	s7 =	simm.s32 @p2 $0x1082  }
0x22: {  	[simem:s7], [sflag:s8] =	dma.local @!p0 [hbm:s6], $0xF7A  }
0x23: {  	s9 =	sor.u32 $0xD0000000, s2;
	s6 =	simm.s32 $0x108;
	_ =	swait.ge @!p0 [sflag:s8], $0x0  }
0x24: {  	s3 =	sadd.s32 $0x88, s3;
	s6 =	simm.s32 @!p1 $0x1082;
	[sflag:s4] =	ssyncset.s32 $0xFFFFF086  }
0x25: {  	[simem:s6], [sflag:s4] =	dma.local [hbm:s3], $0xF7A  }
0x26: {  	[smem:$0x3F9D] =	sst s1;
	(tag) =	ssettag s2;
	_ =	strace s9  }
0x27: {  	s1 =	sld [smem:$0x3FAD]  }
0x28: {  	s2 =	sld [smem:$0x3FAE]  }
0x29: {  	s4 =	sld [smem:$0x3FB0]  }
0x2a: {  	p0 =	seq.s32 s5, $0x0;
	s5 =	sld [smem:$0x3FB1]  }
0x2b: {  	s6 =	sld [smem:$0x3FB2]  }
0x2c: {  	s7 =	sld [smem:$0x3FB3]  }
0x2d: {  	s3 =	simm.s32 $0x108;
	s8 =	sld [smem:$0x3FB4]  }
0x2e: {  	s3 =	simm.s32 @!p0 $0x1082;
	s9 =	sld [smem:$0x3FB5]  }
0x2f: {  	lr =	sadd.s32 s0, s3;
	s0 =	sld [smem:$0x3FAC]  }
0x30: {  	s3 =	sld [smem:$0x3FAF]  }
0x31: {  	[smem:$0x3FB8] =	sst s10  }
0x32: {  	s10 =	sld [smem:$0x3FB6];
	_ =	sdelay $0x3  }
0x33: {  	p0 =	seq.s32 s10, $0x1;
	s10 =	sld [smem:$0x3FB8];
	_ =	sdelay $0x3  }
0x34: {  	[smem:$0x3FB8] =	sst s10  }
0x35: {  	s10 =	sld [smem:$0x3FB7];
	_ =	sdelay $0x3  }
0x36: {  	p1 =	seq.s32 s10, $0x1;
	s10 =	sld [smem:$0x3FB8];
	_ =	sdelay $0x3  }
0x37: {  	[smem:$0x3FB8] =	sst s10  }
0x38: {  	s10 =	sld [smem:$0x3FB9]  }
0x39: {  	_ = 	snop;
	(pc) =	sbr.ind lr, $3  }
0x3a: {  	_ = 	snop  }
0x3b: {  	_ = 	snop  }
0x3c: {  	p2 =	seq.s32 s10, $0x1;
	s10 =	sld [smem:$0x3FB8]  }
0x3d: {  	_ =	shalt  }
0x3e: {  	_ =	shalt  }
0x3f: {  	_ =	shalt  }
0x40: {  	_ =	shalt  }
0x41: {  	_ =	shalt  }
0x42: {  	_ =	shalt  }
0x43: {  	_ =	shalt  }
0x44: {  	_ =	shalt  }
0x45: {  	_ =	shalt  }
0x46: {  	_ =	shalt  }
0x47: {  	_ =	shalt  }
0x48: {  	_ =	shalt  }
0x49: {  	_ =	shalt  }
0x4a: {  	_ =	shalt  }
0x4b: {  	_ =	shalt  }
0x4c: {  	_ =	shalt  }
0x4d: {  	_ =	shalt  }
0x4e: {  	_ =	shalt  }
0x4f: {  	_ =	shalt  }
0x50: {  	_ =	shalt  }
0x51: {  	_ =	shalt  }
0x52: {  	_ =	shalt  }
0x53: {  	_ =	shalt  }
0x54: {  	_ =	shalt  }
0x55: {  	_ =	shalt  }
0x56: {  	_ =	shalt  }
0x57: {  	_ =	shalt  }
0x58: {  	_ =	shalt  }
0x59: {  	_ =	shalt  }
0x5a: {  	_ =	shalt  }
0x5b: {  	_ =	shalt  }
0x5c: {  	_ =	shalt  }
0x5d: {  	_ =	shalt  }
0x5e: {  	_ =	shalt  }
0x5f: {  	_ =	shalt  }
0x60: {  	_ =	shalt  }
0x61: {  	_ =	shalt  }
0x62: {  	_ =	shalt  }
0x63: {  	_ =	shalt  }
0x64: {  	_ =	shalt  }
0x65: {  	_ =	shalt  }
0x66: {  	_ =	shalt  }
0x67: {  	_ =	shalt  }
0x68: {  	_ =	shalt  }
0x69: {  	_ =	shalt  }
0x6a: {  	_ =	shalt  }
0x6b: {  	_ =	shalt  }
0x6c: {  	_ =	shalt  }
0x6d: {  	_ =	shalt  }
0x6e: {  	_ =	shalt  }
0x6f: {  	_ =	shalt  }
0x70: {  	_ =	shalt  }
0x71: {  	_ =	shalt  }
0x72: {  	_ =	shalt  }
0x73: {  	_ =	shalt  }
0x74: {  	_ =	shalt  }
0x75: {  	_ =	shalt  }
0x76: {  	_ =	shalt  }
0x77: {  	_ =	shalt  }
0x78: {  	_ =	shalt  }
0x79: {  	_ =	shalt  }
0x7a: {  	_ =	shalt  }
0x7b: {  	_ =	shalt  }
0x7c: {  	_ =	shalt  }
0x7d: {  	_ =	shalt  }
0x7e: {  	_ =	shalt  }
0x7f: {  	_ =	shalt  }
0x80: {  	_ =	shalt  }
0x81: {  	_ =	shalt  }
0x82: {  	_ =	shalt  }
0x83: {  	_ =	shalt  }
0x84: {  	_ =	shalt  }
0x85: {  	_ =	shalt  }
0x86: {  	_ =	shalt  }
0x87: {  	_ =	shalt  }
.Lfunc_end0:
.L_simem_size_0:
called_computation.1_lowered:
.L_overlay_start_0:
0x88: {  	s2 =	sld [smem:$0x3FD9]  }
0x89: {  	s3 =	sld [smem:$0x3FFE];
	_ =	sdelay $0x1  }
0x8a: {  	s1 =	srdreg.scid  }
0x8b: {  	s0 =	sand.u32 $0x1, s1  }
0x8c: {  	s17 =	sshll.u32 s0, $0xA;
	s2 =	sadd.s32 s3, s2  }
0x8d: {  	s2 =	sadd.s32 s2, s17  }
0x8e: {  	[smem:$0x3FC4] =	sst s2  }
0x8f: {  	_ = 	snop  }
0x90: {  	s18 =	sld [smem:$0x3FC8];
	(tm) =	ssettm $0x1  }
0x91: {  	s19 =	sld [smem:$0x3FFB];
	_ =	sdelay $0x3  }
0x92: {  	_ =	strace s19  }
0x93: {  	s2 =	sld [smem:$0x3FFC];
	_ =	sdelay $0x3  }
0x94: {  	_ =	strace s2  }
0x95: {  	s2 =	sld [smem:$0x3FFD];
	_ =	sdelay $0x3  }
0x96: {  	_ =	strace s2  }
0x97: {  	_ =	strace $0x8FFFFFFF  }
0x98: {  	s20 =	sld [smem:$0x3FDB];
	_ =	sdelay $0x1  }
0x99: {  	s4 =	simm.s32 $_scs_section_size  }
0x9a: {  	s5 =	simm.s32 $_size__tile_overlayer_lowered;
	s6 =	simm.s32 $_tile_overlayer_lowered  }
0x9b: {  	s7 =	simm.s32 $0x1BFF;
	s21 =	sshll.u32 s6, $0x1;
	s4 =	sadd.s32 s4, s20  }
0x9c: {  	s22 =	simm.s32 $0x0;
	s5 =	sshll.u32 s5, $0x1;
	s6 =	sadd.s32 s21, s4  }
0x9d: {  	[timem:s22], [sflag:s7] =	dma.local [hbm:s6], s5  }
0x9e: {  	_ =	swait.ge [sflag:s7], s5  }
0x9f: {  	s5 =	ssub.s32 $0x0, s5;
	[sflag:s7] =	ssyncset.done $0x0  }
0xa0: {  	[sflag:s7] =	ssyncadd.s32 s5;
	_ =	sdelay $0x1  }
0xa1: {  	s23 =	simm.s32 $0x1B8B  }
0xa2: {  	_ =	swait.ge [sflag:s23], $0x1  }
0xa3: {  	[sflag:s23] =	ssyncset.done $0x0  }
0xa4: {  	[sflag:s23] =	ssyncadd.s32 $0xFFFFFFFF  }
0xa5: {  	s5 =	sld [smem:$0x0]  }
0xa6: {  	s6 =	sand.u32 $0xFFFFFFFE, s1  }
0xa7: {  	p0 =	sne.s32 s1, s6  }
0xa8: {  	s6 =	sshll.u32 @p0 s6, $0xE  }
0xa9: {  	s6 =	sadd.s32 @p0 $0x11B8D, s6;
	s7 =	sshll.u32 @p0 s5, $0x11  }
0xaa: {  	s6 =	sor.u32 @p0 s7, s6  }
0xab: {  	[sflag:s6] =	ssyncadd.remote.s32 @p0 $0x1;
	_ =	sdelay $0x1  }
0xac: {  	s6 =	simm.s32 @p0 $0x1B8D  }
0xad: {  	_ =	swait.eq @p0 [sflag:s6], $0x1  }
0xae: {  	[sflag:s6] =	ssyncadd.s32 @p0 $0xFFFFFFFF  }
0xaf: {  	s7 =	sshll.u32 @!p0 s1, $0xE  }
0xb0: {  	s7 =	sor.u32 @!p0 $0x4000, s7;
	s6 =	simm.s32 @!p0 $0x1B8D  }
0xb1: {  	s5 =	sshll.u32 @!p0 s5, $0x11;
	s7 =	sadd.s32 @!p0 $0x11B8D, s7;
	_ =	swait.eq @!p0 [sflag:s6], $0x1  }
0xb2: {  	s5 =	sor.u32 @!p0 s5, s7;
	[sflag:s6] =	ssyncadd.s32 @!p0 $0xFFFFFFFF  }
0xb3: {  	s25 =	simm.s32 $0x1B8E;
	s24 =	sld [smem:$0x3FFE];
	[sflag:s5] =	ssyncadd.remote.s32 @!p0 $0x1  }
0xb4: {  	s26 =	simm.s32 $execute0_lowered;
	[smem:$0x3FD2] =	sst s25  }
0xb5: {  	s6 =	sshll.u32 s26, $0x1;
	_ =	strace $0x80000049;
	[dreg:$0x1] =	wrdreg $0xFFFFFFFF  }
0xb6: {  	s28 =	simm.s32 $_size_execute0_lowered;
	s4 =	sadd.s32 s4, s6;
	[dreg:$0x0] =	wrdreg $0x0  }
0xb7: {  	s6 =	sshll.u32 s28, $0x1;
	[dreg:$0x2] =	wrdreg s4  }
0xb8: {  	[dreg:$0x3] =	wrdreg s6  }
0xb9: {  	[dreg:$0x4] =	wrdreg $0xC0  }
0xba: {  	_ =	task [dreg:s22], $0x5FFFF  }
0xbb: {  	[dreg:$0x1] =	wrdreg $0xFFFFFFFF  }
0xbc: {  	[dreg:$0x0] =	wrdreg $0x60  }
0xbd: {  	[dreg:$0x2] =	wrdreg s18  }
0xbe: {  	[dreg:$0x3] =	wrdreg s24  }
0xbf: {  	[dreg:$0x4] =	wrdreg $0xA  }
0xc0: {  	_ =	task.clear_ibuf [dreg:s22], $0x5FFFF;
	_ =	strace $0x90000049  }
0xc1: {  	s29 =	simm.s32 $0xA;
	_ =	strace $0x8000004B  }
0xc2: {  	_ =	swait.ge [sflag:s29], $0x1  }
0xc3: {  	[sflag:s29] =	ssyncadd.s32 $0xFFFFFFFF  }
0xc4: {  	_ =	strace $0x9000004B  }
0xc5: {  	_ =	sfence  }
0xc6: {  	s30 =	sld [smem:$0x0];
	_ =	sdelay $0x2  }
0xc7: {  	s31 =	sshll.u32 s1, $0xD;
	s1 =	sshrl.u32 s1, $0x2  }
0xc8: {  	s4 =	sand.u32 $0x4000, s31;
	s1 =	sadd.s32 s1, s30  }
0xc9: {  	s0 =	sor.u32 s4, s0;
	s1 =	sshll.u32 s1, $0x11  }
0xca: {  	s0 =	sor.u32 s1, s0  }
0xcb: {  	s0 =	sadd.s32 $0x8F2B, s0  }
0xcc: {  	[sflag:s0] =	ssyncadd.remote.s32 $0x1  }
0xcd: {  	_ =	sfence.sel $0xFFFF  }
0xce: {  	[dreg:$0x0] =	wrdreg $0xFFFFFFFF;
	(pc) =	sbr.abs _section_cstart, $3  }
0xcf: {  	[dreg:$0x1] =	wrdreg $0xFFFFFFFF  }
0xd0: {  	_ =	task.clear_ibuf [dreg:s22], $0x2FFFF;
	_ =	strace $0x9FFFFFFF  }
0xd1: {  	(tm) =	ssettm $0x7FFFFFFF  }
tec
execute0_lowered:
.L_overlay_start_1:
0x0: {  	(tag) =	ssettag $0x1  }
0x1: {  	s1 =	srdreg.scid  }
0x2: {  	s3 =	rddreg [dreg:$0x0];
	s0 =	stileid.u32;
	s18 =	sand.u32 $0x1, s1  }
0x3: {  	s10 =	rddreg [dreg:$0x1];
	s4 =	sshll.u32 s0, $0xA;
	s5 =	sshll.u32 s18, $0x9  }
0x4: {  	s2 =	simm.s32 $0x0;
	s1 =	rddreg [dreg:$0x2];
	s11 =	sor.u32 s5, s4  }
0x5: {  	[smem:$0x7FF] =	sst s2;
	s4 =	sshrl.u32 s11, $0x3  }
0x6: {  	_ =	strace $0x8000004A;
	s3 =	sadd.s32 s3, s4;
	s4 =	simm.s32 $0x5  }
0x7: {  	[tilespmem:s2], [sflag:$0x5] =	stream.linear.gather [hbm4b:s3+s2], $0x200, $0x38;
	[tilespmem:$0x8200] =	vst v63  }
0x8: {  	_ =	swait.ge [sflag:s4], $0x200  }
0x9: {  	s6 =	simm.s32 $0x80;
	[sflag:s4] =	ssyncset.done $0x0  }
0xa: {  	s7 =	simm.s32 $0x200;
	s5 =	sadd.s32 $0x2DC7800, s10;
	[sflag:s4] =	ssyncadd.s32 $0xFFFFFE00  }
0xb: {  	[tilespmem:s7], [sflag:$0x1] =	stream.indirect.gather [hbm4b:s5+s6], $0x80, s2, s6, $0xb8;
	[tilespmem:$0x8200] =	vst v63  }
0xc: {  	s8 =	simm.s32 $0x4200;
	s9 =	simm.s32 $0x1  }
0xd: {  	[tilespmem:s8], [sflag:$0x2] =	stream.indirect.gather [hbm4b:s5+s6], $0x80, s6, s6, $0xb8;
	[tilespmem:$0x8200] =	vst v63  }
0xe: {  	s11 =	sshll.u32 s11, $0x4;
	_ =	swait.ge [sflag:s9], $0x4000  }
0xf: {  	s19 =	sadd.s32 s11, s10;
	[sflag:s9] =	ssyncset.done $0x0  }
0x10: {  	s11 =	simm.s32 $0x3;
	s10 =	sadd.s32 $0x40C00, s19;
	[sflag:s9] =	ssyncadd.s32 $0xFFFFC000  }
0x11: {  	[hbm4b:s10+s2] =	stream.linear.scatter [tilespmem:s7], [sflag:$0x3], $0x4000, $0x38;
	[tilespmem:$0x8200] =	vst v63  }
0x12: {  	_ =	swait.ge [sflag:s11], $0x4000  }
0x13: {  	[sflag:s11] =	ssyncset.done $0x0  }
0x14: {  	s12 =	simm.s32 $0x100;
	s13 =	simm.s32 $0x2;
	[sflag:s11] =	ssyncadd.s32 $0xFFFFC000  }
0x15: {  	[tilespmem:s7], [sflag:$0x1] =	stream.indirect.gather [hbm4b:s5+s6], $0x80, s12, s6, $0xb8;
	[tilespmem:$0x8200] =	vst v63  }
0x16: {  	_ =	swait.ge [sflag:s13], $0x4000  }
0x17: {  	[sflag:s13] =	ssyncset.done $0x0  }
0x18: {  	s14 =	simm.s32 $0x4;
	s15 =	sadd.s32 $0x41400, s19;
	[sflag:s13] =	ssyncadd.s32 $0xFFFFC000  }
0x19: {  	[hbm4b:s15+s2] =	stream.linear.scatter [tilespmem:s8], [sflag:$0x4], $0x4000, $0x38;
	[tilespmem:$0x8200] =	vst v63  }
0x1a: {  	_ =	swait.ge [sflag:s14], $0x4000  }
0x1b: {  	[sflag:s14] =	ssyncset.done $0x0  }
0x1c: {  	s16 =	simm.s32 $0x180;
	[sflag:s14] =	ssyncadd.s32 $0xFFFFC000  }
0x1d: {  	[tilespmem:s8], [sflag:$0x2] =	stream.indirect.gather [hbm4b:s5+s6], $0x80, s16, s6, $0xb8;
	[tilespmem:$0x8200] =	vst v63  }
0x1e: {  	_ =	swait.ge [sflag:s9], $0x4000  }
0x1f: {  	s20 =	ssub.s32 $0x2, s18;
	[sflag:s9] =	ssyncset.done $0x0  }
0x20: {  	s31 =	sshrl.u32 s20, $0x1;
	s17 =	sadd.s32 $0x41C00, s19;
	[sflag:s9] =	ssyncadd.s32 $0xFFFFC000  }
0x21: {  	[hbm4b:s17+s2] =	stream.linear.scatter [tilespmem:s7], [sflag:$0x3], $0x4000, $0x38;
	[tilespmem:$0x8200] =	vst v63  }
0x22: {  	s18 =	sadd.s32 $0x42400, s19;
	s19 =	ssub.s32 s20, s31;
	_ =	swait.ge [sflag:s13], $0x4000  }
0x23: {  	s19 =	smax.u32 s19, $0x1;
	[sflag:s13] =	ssyncset.done $0x0  }
0x24: {  	p0 =	sne.s32 s19, $0x1;
	[sflag:s13] =	ssyncadd.s32 $0xFFFFC000  }
0x25: {  	[hbm4b:s18+s2] =	stream.linear.scatter [tilespmem:s8], [sflag:$0x4], $0x4000, $0x38;
	[tilespmem:$0x8200] =	vst v63  }
.Ltmp0:
0x26: {  	_ =	swait.ge [sflag:s11], $0x4000;
	(pc) =	sbr.rel @!p0 .LBB2_2-.Ltmp0, $4  }
0x27: {  	[sflag:s11] =	ssyncset.done $0x0  }
0x28: {  	[sflag:s11] =	ssyncadd.s32 $0xFFFFC000  }
0x29: {  	_ =	swait.ge [sflag:s14], $0x4000  }
0x2a: {  	s19 =	sadd.s32 $0xFFFFFFFF, s19;
	[sflag:s14] =	ssyncset.done $0x0  }
.LBB2_1:
0x2b: {  	p0 =	sne.s32 s19, $0x1;
	s19 =	sadd.s32 $0xFFFFFFFF, s19;
	[sflag:s14] =	ssyncadd.s32 $0xFFFFC000  }
0x2c: {  	[tilespmem:s2], [sflag:$0x5] =	stream.linear.gather [hbm4b:s3+s2], $0x200, $0x38;
	[tilespmem:$0x8200] =	vst v63  }
0x2d: {  	_ =	swait.ge [sflag:s4], $0x200  }
0x2e: {  	[sflag:s4] =	ssyncset.done $0x0  }
0x2f: {  	[sflag:s4] =	ssyncadd.s32 $0xFFFFFE00  }
0x30: {  	[tilespmem:s7], [sflag:$0x1] =	stream.indirect.gather [hbm4b:s5+s6], $0x80, s2, s6, $0xb8;
	[tilespmem:$0x8200] =	vst v63  }
0x31: {  	_ = 	snop  }
0x32: {  	[tilespmem:s8], [sflag:$0x2] =	stream.indirect.gather [hbm4b:s5+s6], $0x80, s6, s6, $0xb8;
	[tilespmem:$0x8200] =	vst v63  }
0x33: {  	_ =	swait.ge [sflag:s9], $0x4000  }
0x34: {  	[sflag:s9] =	ssyncset.done $0x0  }
0x35: {  	[sflag:s9] =	ssyncadd.s32 $0xFFFFC000  }
0x36: {  	[hbm4b:s10+s2] =	stream.linear.scatter [tilespmem:s7], [sflag:$0x3], $0x4000, $0x38;
	[tilespmem:$0x8200] =	vst v63  }
0x37: {  	_ =	swait.ge [sflag:s11], $0x4000  }
0x38: {  	[sflag:s11] =	ssyncset.done $0x0  }
0x39: {  	[sflag:s11] =	ssyncadd.s32 $0xFFFFC000  }
0x3a: {  	[tilespmem:s7], [sflag:$0x1] =	stream.indirect.gather [hbm4b:s5+s6], $0x80, s12, s6, $0xb8;
	[tilespmem:$0x8200] =	vst v63  }
0x3b: {  	_ =	swait.ge [sflag:s13], $0x4000  }
0x3c: {  	[sflag:s13] =	ssyncset.done $0x0  }
0x3d: {  	[sflag:s13] =	ssyncadd.s32 $0xFFFFC000  }
0x3e: {  	[hbm4b:s15+s2] =	stream.linear.scatter [tilespmem:s8], [sflag:$0x4], $0x4000, $0x38;
	[tilespmem:$0x8200] =	vst v63  }
0x3f: {  	_ =	swait.ge [sflag:s14], $0x4000  }
0x40: {  	[sflag:s14] =	ssyncset.done $0x0  }
0x41: {  	[sflag:s14] =	ssyncadd.s32 $0xFFFFC000  }
0x42: {  	[tilespmem:s8], [sflag:$0x2] =	stream.indirect.gather [hbm4b:s5+s6], $0x80, s16, s6, $0xb8;
	[tilespmem:$0x8200] =	vst v63  }
0x43: {  	_ =	swait.ge [sflag:s9], $0x4000  }
0x44: {  	[sflag:s9] =	ssyncset.done $0x0  }
0x45: {  	[sflag:s9] =	ssyncadd.s32 $0xFFFFC000  }
0x46: {  	[hbm4b:s17+s2] =	stream.linear.scatter [tilespmem:s7], [sflag:$0x3], $0x4000, $0x38;
	[tilespmem:$0x8200] =	vst v63  }
0x47: {  	_ =	swait.ge [sflag:s13], $0x4000  }
0x48: {  	[sflag:s13] =	ssyncset.done $0x0  }
0x49: {  	[sflag:s13] =	ssyncadd.s32 $0xFFFFC000  }
0x4a: {  	[hbm4b:s18+s2] =	stream.linear.scatter [tilespmem:s8], [sflag:$0x4], $0x4000, $0x38;
	[tilespmem:$0x8200] =	vst v63  }
.Ltmp1:
0x4b: {  	_ =	swait.ge [sflag:s11], $0x4000;
	(pc) =	sbr.rel @p0 .LBB2_1-.Ltmp1, $4  }
0x4c: {  	[sflag:s11] =	ssyncset.done $0x0  }
0x4d: {  	[sflag:s11] =	ssyncadd.s32 $0xFFFFC000  }
0x4e: {  	_ =	swait.ge [sflag:s14], $0x4000  }
0x4f: {  	[sflag:s14] =	ssyncset.done $0x0  }
.LBB2_2:
0x50: {  	[sflag:s14] =	ssyncadd.s32 $0xFFFFC000  }
0x51: {  	_ =	sfence.sel $0x180000  }
0x52: {  	[bflag:$0x0] =	sbarrier.arrive $0xFFFF  }
0x53: {  	p0 =	sne.s32 s0, $0x0;
	_ =	strace $0x9000004A  }
0x54: {  	s0 =	sadd.s32 @!p0 $0x100000, s1;
	[bflag:$0x2] =	sbarrier.arrive $0xFFFF  }
0x55: {  	[sflag:s0] =	ssyncadd.tile.s32 @!p0 $0x1;
	_ =	shalt  }
.Lfunc_end2:
_tile_overlayer_lowered:
.L_overlay_start_2:
0x56: {  	(tag) =	ssettag $0x2  }
0x57: {  	s0 =	rddreg [dreg:$0x0];
	s2 =	stileid.u32  }
0x58: {  	s1 =	rddreg [dreg:$0x1];
	p0 =	sne.s32 s2, $0x0  }
0x59: {  	s3 =	rddreg [dreg:$0x2];
	[bflag:$0x3] =	sbarrier.arrive $0xFFFF;
	s2 =	simm.s32 @!p0 $0x1C05  }
0x5a: {  	[timem:s3], [sflag:s2] =	dma.local @!p0 [hbm:s0], s1  }
0x5b: {  	s0 =	simm.s32 @!p0 $0x5  }
0x5c: {  	_ =	swait.ge @!p0 [sflag:s0], s1  }
0x5d: {  	s1 =	ssub.s32 @!p0 $0x0, s1;
	[sflag:s0] =	ssyncset.done @!p0 $0x0  }
0x5e: {  	[sflag:s0] =	ssyncadd.s32 @!p0 s1  }
0x5f: {  	[bflag:$0x3] =	sbarrier.arrive $0xFFFF  }
0x60: {  	_ =	shalt  }

</sc_bundles>
